<compile_context>
chip_gen: v7x
topology: tpu7x:2x2x1
jax: 0.10.2.dev20260603
libtpu: 0.0.44.dev20260713+nightly
codegen_flags: <defaults>
</compile_context>

<pallas_src>
import functools

import jax
import jax.numpy as jnp
from jax import lax
from jax.experimental import pallas as pl
from jax.experimental.pallas import tpu as pltpu
from jax.experimental.pallas import tpu_sc as plsc

N = 10000
D = 128
H = 128
G = 64

NC = 2
NS = 16
NW = NC * NS
CH = 128
E = 320000
K0 = 128
K1 = 30
E_PAD = NS * CH * (K0 + K1)
E_W0 = K0 * CH
E_W1 = K1 * CH
N_PAD = 10112
RPT = N_PAD // NS

def _seg_sum_body(h_hbm, src_hbm, dst_hbm, zeros_hbm, out_hbm,
                  srcv_a, srcv_b, dstv_a, dstv_b, rows_a, rows_b, acc,
                  gsa, gsb, isa, isb):
    c = lax.axis_index("c")
    s = lax.axis_index("s")
    ebase = jnp.where(c == 0, s * E_W0, NS * E_W0 + s * E_W1)
    nchunk = jnp.where(c == 0, K0, K1)

    def idx_load(j, srcv, dstv, sem):
        pltpu.async_copy(src_hbm.at[pl.ds(ebase + j * CH, CH)], srcv, sem)
        pltpu.async_copy(dst_hbm.at[pl.ds(ebase + j * CH, CH)], dstv, sem)

    def idx_wait(srcv, dstv, sem):
        pltpu.make_async_copy(src_hbm.at[pl.ds(ebase, CH)], srcv, sem).wait()
        pltpu.make_async_copy(dst_hbm.at[pl.ds(ebase, CH)], dstv, sem).wait()

    def gather_wait(srcv, rows, sem):
        pltpu.make_async_copy(h_hbm.at[srcv], rows, sem).wait()

    pltpu.sync_copy(zeros_hbm, acc.at[pl.ds(s * RPT, RPT)])
    plsc.subcore_barrier()

    pltpu.sync_copy(src_hbm.at[pl.ds(ebase, CH)], srcv_a)
    pltpu.sync_copy(dst_hbm.at[pl.ds(ebase, CH)], dstv_a)
    pltpu.async_copy(h_hbm.at[srcv_a], rows_a, gsa)
    idx_load(1, srcv_b, dstv_b, isb)

    def body(i, carry):
        j = 2 * i
        idx_wait(srcv_b, dstv_b, isb)
        pltpu.async_copy(h_hbm.at[srcv_b], rows_b, gsb)
        gather_wait(srcv_a, rows_a, gsa)
        pltpu.sync_copy(rows_a, acc.at[dstv_a], add=True)
        idx_load(j + 2, srcv_a, dstv_a, isa)
        idx_wait(srcv_a, dstv_a, isa)
        pltpu.async_copy(h_hbm.at[srcv_a], rows_a, gsa)
        gather_wait(srcv_b, rows_b, gsb)
        pltpu.sync_copy(rows_b, acc.at[dstv_b], add=True)
        idx_load(j + 3, srcv_b, dstv_b, isb)
        return carry

    lax.fori_loop(0, nchunk // 2, body, 0)
    gather_wait(srcv_a, rows_a, gsa)
    idx_wait(srcv_b, dstv_b, isb)
    plsc.subcore_barrier()
    pltpu.sync_copy(acc.at[pl.ds(s * RPT, RPT)],
                    out_hbm.at[pl.ds(c * N_PAD + s * RPT, RPT)])


@functools.cache
def _segment_sum_sc():
    mesh = plsc.VectorSubcoreMesh(core_axis_name="c", subcore_axis_name="s")
    return pl.kernel(
        _seg_sum_body,
        mesh=mesh,
        out_type=jax.ShapeDtypeStruct((2 * N_PAD, H), jnp.float32),
        scratch_types=[
            pltpu.VMEM((CH,), jnp.int32),
            pltpu.VMEM((CH,), jnp.int32),
            pltpu.VMEM((CH,), jnp.int32),
            pltpu.VMEM((CH,), jnp.int32),
            pltpu.VMEM((CH, H), jnp.float32),
            pltpu.VMEM((CH, H), jnp.float32),
            pltpu.VMEM_SHARED((N_PAD, H), jnp.float32),
            pltpu.SemaphoreType.DMA,
            pltpu.SemaphoreType.DMA,
            pltpu.SemaphoreType.DMA,
            pltpu.SemaphoreType.DMA,
        ],
    )


BLK = 1000


def _mlp_body(eps_ref, x_ref, a0_ref, a1_ref, w1_ref, b1_ref, w2_ref,
              b2_ref, o_ref, *, relu_out):
    h = (1.0 + eps_ref[0]) * x_ref[...] + a0_ref[...] + a1_ref[...]
    h = jnp.dot(h, w1_ref[...], preferred_element_type=jnp.float32)
    h = jnp.maximum(h + b1_ref[...], 0.0)
    h = jnp.dot(h, w2_ref[...], preferred_element_type=jnp.float32)
    h = h + b2_ref[...]
    if relu_out:
        h = jnp.maximum(h, 0.0)
    o_ref[...] = h


def _mlp_layer(x, a0, a1, w1, b1, w2, b2, eps, relu_out):
    grid = N // BLK
    return pl.pallas_call(
        functools.partial(_mlp_body, relu_out=relu_out),
        grid=(grid,),
        in_specs=[
            pl.BlockSpec(memory_space=pltpu.SMEM),
            pl.BlockSpec((BLK, H), lambda i: (i, 0)),
            pl.BlockSpec((BLK, H), lambda i: (i, 0)),
            pl.BlockSpec((BLK, H), lambda i: (i, 0)),
            pl.BlockSpec((H, H), lambda i: (0, 0)),
            pl.BlockSpec((1, H), lambda i: (0, 0)),
            pl.BlockSpec((H, H), lambda i: (0, 0)),
            pl.BlockSpec((1, H), lambda i: (0, 0)),
        ],
        out_specs=pl.BlockSpec((BLK, H), lambda i: (i, 0)),
        out_shape=jax.ShapeDtypeStruct((N, H), jnp.float32),
    )(eps.reshape(1), x, a0, a1, w1, b1.reshape(1, H), w2, b2.reshape(1, H))


def _mlp_pool_body(eps_ref, batch_ref, x_ref, a0_ref, a1_ref, w1_ref,
                   b1_ref, w2_ref, b2_ref, fcw_ref, fcb_ref, o_ref,
                   sums_acc, cnt_acc):
    i = pl.program_id(0)

    @pl.when(i == 0)
    def _init():
        sums_acc[...] = jnp.zeros_like(sums_acc)
        cnt_acc[...] = jnp.zeros_like(cnt_acc)

    h = (1.0 + eps_ref[0]) * x_ref[...] + a0_ref[...] + a1_ref[...]
    h = jnp.dot(h, w1_ref[...], preferred_element_type=jnp.float32)
    h = jnp.maximum(h + b1_ref[...], 0.0)
    h = jnp.dot(h, w2_ref[...], preferred_element_type=jnp.float32)
    h = h + b2_ref[...]

    b = batch_ref[0, 0, :]
    onehot_t = (lax.broadcasted_iota(jnp.int32, (G, BLK), 0)
                == b[None, :]).astype(jnp.float32)
    sums_acc[...] += lax.dot_general(
        onehot_t, h, (((1,), (0,)), ((), ())),
        preferred_element_type=jnp.float32)
    cnt_acc[...] += jnp.broadcast_to(
        jnp.sum(onehot_t, axis=1, keepdims=True), (G, H))

    @pl.when(i == pl.num_programs(0) - 1)
    def _final():
        pooled = sums_acc[...] / jnp.maximum(cnt_acc[...], 1.0)
        out = jnp.dot(pooled, fcw_ref[...],
                      preferred_element_type=jnp.float32)
        o_ref[...] = out + fcb_ref[0]


def _mlp_pool_layer(x, a0, a1, batch_r, w1, b1, w2, b2, eps, fcw, fcb):
    grid = N // BLK
    out = pl.pallas_call(
        _mlp_pool_body,
        grid=(grid,),
        in_specs=[
            pl.BlockSpec(memory_space=pltpu.SMEM),
            pl.BlockSpec((1, 1, BLK), lambda i: (i, 0, 0)),
            pl.BlockSpec((BLK, H), lambda i: (i, 0)),
            pl.BlockSpec((BLK, H), lambda i: (i, 0)),
            pl.BlockSpec((BLK, H), lambda i: (i, 0)),
            pl.BlockSpec((H, H), lambda i: (0, 0)),
            pl.BlockSpec((1, H), lambda i: (0, 0)),
            pl.BlockSpec((H, H), lambda i: (0, 0)),
            pl.BlockSpec((1, H), lambda i: (0, 0)),
            pl.BlockSpec((H, 1), lambda i: (0, 0)),
            pl.BlockSpec(memory_space=pltpu.SMEM),
        ],
        out_specs=pl.BlockSpec((G, 1), lambda i: (0, 0)),
        out_shape=jax.ShapeDtypeStruct((G, 1), jnp.float32),
        scratch_shapes=[
            pltpu.VMEM((G, H), jnp.float32),
            pltpu.VMEM((G, H), jnp.float32),
        ],
    )(eps.reshape(1), batch_r, x, a0, a1, w1, b1.reshape(1, H), w2,
      b2.reshape(1, H), fcw, fcb.reshape(1))
    return out[:, 0]


def kernel(x, edge_index, batch, W1_0, b1_0, W2_0, b2_0, eps_0, W1_1,
           b1_1, W2_1, b2_1, eps_1, W1_2, b1_2, W2_2, b2_2, eps_2, fcW,
           fcb):
    pad = E_PAD - E + 2 * CH
    src = jnp.concatenate([edge_index[0], jnp.zeros((pad,), jnp.int32)])
    dst = jnp.concatenate(
        [edge_index[1], jnp.full((pad,), N, jnp.int32)])
    zeros_tile = jnp.zeros((RPT, H), jnp.float32)
    batch_r = batch.reshape(N // BLK, 1, BLK)

    params = [(W1_0, b1_0, W2_0, b2_0, eps_0),
              (W1_1, b1_1, W2_1, b2_1, eps_1),
              (W1_2, b1_2, W2_2, b2_2, eps_2)]
    h = x
    for i, (w1, b1, w2, b2, eps) in enumerate(params):
        parts = _segment_sum_sc()(h, src, dst, zeros_tile)
        a0 = parts[0:N]
        a1 = parts[N_PAD:N_PAD + N]
        if i < 2:
            h = _mlp_layer(h, a0, a1, w1, b1, w2, b2, eps, relu_out=True)
        else:
            return _mlp_pool_layer(h, a0, a1, batch_r, w1, b1, w2, b2,
                                   eps, fcW, fcb)

# --- scband reference (transcript-rebuilt; emitter-appended) ---
"""Pipeline reference for scband-ginregressor-2327872274535 (READ-ONLY COPY).

The authoritative reference and input builder live on the scoring server;
editing this copy changes nothing except your own understanding.
"""

import jax, jax.numpy as jnp
import numpy as np

N = 10000
E = 320000
D = 128
H = 128
G = 64

def setup_inputs(seed: int = 0):
    key = jax.random.key(seed)
    ks = jax.random.split(key, 20)
    inp = {}
    inp['x'] = jax.random.normal(ks[0], (N, D), dtype=jnp.float32)
    inp['edge_index'] = jax.random.randint(ks[1], (2, E), 0, N, dtype=jnp.int32)
    inp['batch'] = jnp.sort(jax.random.randint(ks[2], (N,), 0, G, dtype=jnp.int32))
    dims = [(D, H), (H, H), (H, H)]
    for i, (din, dout) in enumerate(dims):
        inp['W1_%d' % i] = jax.random.normal(ks[3 + 4 * i], (din, H), dtype=jnp.float32) * 0.05
        inp['b1_%d' % i] = jnp.zeros((H,), dtype=jnp.float32)
        inp['W2_%d' % i] = jax.random.normal(ks[4 + 4 * i], (H, H), dtype=jnp.float32) * 0.05
        inp['b2_%d' % i] = jnp.zeros((H,), dtype=jnp.float32)
        inp['eps_%d' % i] = jnp.zeros((), dtype=jnp.float32)
    inp['fcW'] = jax.random.normal(ks[16], (H, 1), dtype=jnp.float32) * 0.05
    inp['fcb'] = jnp.zeros((1,), dtype=jnp.float32)
    return inp

def _gin_layer(x, src, dst, W1, b1, W2, b2, eps):
    # GINConv (train_eps=True): out = mlp((1 + eps) * x + sum_{j->i} x_j)
    agg = jax.ops.segment_sum(x[src], dst, num_segments=N)
    h = (1.0 + eps) * x + agg
    h = jnp.maximum(h @ W1 + b1, 0.0)
    h = h @ W2 + b2
    return h

def reference(x, edge_index, batch, W1_0, b1_0, W2_0, b2_0, eps_0, W1_1, b1_1, W2_1, b2_1, eps_1, W1_2, b1_2, W2_2, b2_2, eps_2, fcW, fcb):
    src = edge_index[0]
    dst = edge_index[1]
    params = [(W1_0, b1_0, W2_0, b2_0, eps_0),
              (W1_1, b1_1, W2_1, b2_1, eps_1),
              (W1_2, b1_2, W2_2, b2_2, eps_2)]
    h = x
    for i, (W1, b1, W2, b2, eps) in enumerate(params):
        h = _gin_layer(h, src, dst, W1, b1, W2, b2, eps)
        if i < len(params) - 1:
            h = jnp.maximum(h, 0.0)  # ReLU; dropout is identity in eval mode
    # global_mean_pool over graph batch ids
    sums = jax.ops.segment_sum(h, batch, num_segments=G)
    counts = jax.ops.segment_sum(jnp.ones((N,), dtype=jnp.float32), batch, num_segments=G)
    pooled = sums / jnp.maximum(counts, 1.0)[:, None]
    out = pooled @ fcW + fcb
    return jnp.squeeze(out, axis=-1)

if __name__ == "__main__":
    import jax
    _d = setup_inputs()
    print(jax.jit(kernel)(*tuple(_d.values())))

</pallas_src>

<mosaic_0001>
#map = affine_map<(d0, d1) -> (0, 0)>
#map1 = affine_map<(d0, d1) -> (0)>
module attributes {stable_mosaic.version = 14 : i64} {
  func.func @_seg_sum_body(%arg0: i32, %arg1: i32, %arg2: memref<10000x128xf32, #tpu.memory_space<hbm>>, %arg3: memref<323840xi32, #tpu.memory_space<hbm>>, %arg4: memref<323840xi32, #tpu.memory_space<hbm>>, %arg5: memref<632x128xf32, #tpu.memory_space<hbm>>, %arg6: memref<20224x128xf32, #tpu.memory_space<hbm>>, %arg7: memref<128xi32, #tpu.memory_space<vmem>>, %arg8: memref<128xi32, #tpu.memory_space<vmem>>, %arg9: memref<128xi32, #tpu.memory_space<vmem>>, %arg10: memref<128xi32, #tpu.memory_space<vmem>>, %arg11: memref<128x128xf32, #tpu.memory_space<vmem>>, %arg12: memref<128x128xf32, #tpu.memory_space<vmem>>, %arg13: memref<10112x128xf32, #tpu.memory_space<vmem_shared>>, %arg14: memref<!tpu.dma_semaphore, #tpu.memory_space<semaphore_mem>>, %arg15: memref<!tpu.dma_semaphore, #tpu.memory_space<semaphore_mem>>, %arg16: memref<!tpu.dma_semaphore, #tpu.memory_space<semaphore_mem>>, %arg17: memref<!tpu.dma_semaphore, #tpu.memory_space<semaphore_mem>>) attributes {dimension_semantics = [#tpu.dimension_semantics<core_parallel>, #tpu.dimension_semantics<subcore_parallel>], iteration_bounds = array<i64: 2, 16>, scalar_prefetch = 0 : i64, scratch_operands = 11 : i64, tpu.core_type = #tpu.core_type<sc_vector_subcore>, window_params = [{transform_indices = #map}, {transform_indices = #map1}, {transform_indices = #map1}, {transform_indices = #map}, {transform_indices = #map}]} {
    %eq3A = arith.constant 0 : i32
    %eq3A_0 = arith.cmpi eq, %arg0, %eq3A : i32
    %mul3A = arith.constant 16384 : i32
    %mul3A_1 = arith.muli %arg1, %mul3A : i32
    %mul3A_2 = arith.constant 3840 : i32
    %mul3A_3 = arith.muli %arg1, %mul3A_2 : i32
    %add3A = arith.constant 262144 : i32
    %add3A_4 = arith.addi %add3A, %mul3A_3 : i32
    %select_n3A = arith.select %eq3A_0, %mul3A_1, %add3A_4 : i32
    %eq3A_5 = arith.constant 0 : i32
    %eq3A_6 = arith.cmpi eq, %arg0, %eq3A_5 : i32
    %jit3A = arith.constant 128 : i32
    %jit3A_7 = arith.constant 30 : i32
    %select_n3A_8 = arith.select %eq3A_6, %jit3A, %jit3A_7 : i32
    %mul3A_9 = arith.constant 632 : i32
    %mul3A_10 = arith.muli %arg1, %mul3A_9 : i32
    "tpu.region"() ({
      %run_scoped3A = tpu.sem_alloc : memref<!tpu.dma_semaphore, #tpu.memory_space<semaphore_mem>>
      %dma_start3A_62 = arith.constant 0 : i32
      %dma_start3A_63 = tpu.memref_slice %arg13[%mul3A_10, %dma_start3A_62] : memref<10112x128xf32, #tpu.memory_space<vmem_shared>> -> memref<632x128xf32, #tpu.memory_space<vmem_shared>>
      tpu.enqueue_dma source(%arg5 : memref<632x128xf32, #tpu.memory_space<hbm>>) target(%dma_start3A_63 : memref<632x128xf32, #tpu.memory_space<vmem_shared>>) target_semaphore(%run_scoped3A : memref<!tpu.dma_semaphore, #tpu.memory_space<semaphore_mem>>)
      %dma_wait3A_64 = arith.constant 0 : i32
      %dma_wait3A_65 = tpu.memref_slice %arg13[%mul3A_10, %dma_wait3A_64] : memref<10112x128xf32, #tpu.memory_space<vmem_shared>> -> memref<632x128xf32, #tpu.memory_space<vmem_shared>>
      tpu.wait_dma2 semaphore(%run_scoped3A : memref<!tpu.dma_semaphore, #tpu.memory_space<semaphore_mem>>) src(%arg5 : memref<632x128xf32, #tpu.memory_space<hbm>>) dst(%dma_wait3A_65 : memref<632x128xf32, #tpu.memory_space<vmem_shared>>)
      tpu.yield
    }) : () -> ()
    %barrier3A = arith.constant 0 : index
    tpu.barrier barrier_id(%barrier3A)
    "tpu.region"() ({
      %run_scoped3A = tpu.sem_alloc : memref<!tpu.dma_semaphore, #tpu.memory_space<semaphore_mem>>
      %dma_start3A_62 = tpu.memref_slice %arg3[%select_n3A] : memref<323840xi32, #tpu.memory_space<hbm>> -> memref<128xi32, #tpu.memory_space<hbm>>
      %dma_start3A_63 = tpu.memref_slice %arg3[%select_n3A] : memref<323840xi32, #tpu.memory_space<hbm>> -> memref<128xi32, #tpu.memory_space<hbm>>
      tpu.enqueue_dma source(%dma_start3A_63 : memref<128xi32, #tpu.memory_space<hbm>>) target(%arg7 : memref<128xi32, #tpu.memory_space<vmem>>) target_semaphore(%run_scoped3A : memref<!tpu.dma_semaphore, #tpu.memory_space<semaphore_mem>>)
      %dma_wait3A_64 = tpu.memref_slice %arg3[%select_n3A] : memref<323840xi32, #tpu.memory_space<hbm>> -> memref<128xi32, #tpu.memory_space<hbm>>
      %dma_wait3A_65 = tpu.memref_slice %arg3[%select_n3A] : memref<323840xi32, #tpu.memory_space<hbm>> -> memref<128xi32, #tpu.memory_space<hbm>>
      tpu.wait_dma2 semaphore(%run_scoped3A : memref<!tpu.dma_semaphore, #tpu.memory_space<semaphore_mem>>) src(%dma_wait3A_65 : memref<128xi32, #tpu.memory_space<hbm>>) dst(%arg7 : memref<128xi32, #tpu.memory_space<vmem>>)
      tpu.yield
    }) : () -> ()
    "tpu.region"() ({
      %run_scoped3A = tpu.sem_alloc : memref<!tpu.dma_semaphore, #tpu.memory_space<semaphore_mem>>
      %dma_start3A_62 = tpu.memref_slice %arg4[%select_n3A] : memref<323840xi32, #tpu.memory_space<hbm>> -> memref<128xi32, #tpu.memory_space<hbm>>
      %dma_start3A_63 = tpu.memref_slice %arg4[%select_n3A] : memref<323840xi32, #tpu.memory_space<hbm>> -> memref<128xi32, #tpu.memory_space<hbm>>
      tpu.enqueue_dma source(%dma_start3A_63 : memref<128xi32, #tpu.memory_space<hbm>>) target(%arg9 : memref<128xi32, #tpu.memory_space<vmem>>) target_semaphore(%run_scoped3A : memref<!tpu.dma_semaphore, #tpu.memory_space<semaphore_mem>>)
      %dma_wait3A_64 = tpu.memref_slice %arg4[%select_n3A] : memref<323840xi32, #tpu.memory_space<hbm>> -> memref<128xi32, #tpu.memory_space<hbm>>
      %dma_wait3A_65 = tpu.memref_slice %arg4[%select_n3A] : memref<323840xi32, #tpu.memory_space<hbm>> -> memref<128xi32, #tpu.memory_space<hbm>>
      tpu.wait_dma2 semaphore(%run_scoped3A : memref<!tpu.dma_semaphore, #tpu.memory_space<semaphore_mem>>) src(%dma_wait3A_65 : memref<128xi32, #tpu.memory_space<hbm>>) dst(%arg9 : memref<128xi32, #tpu.memory_space<vmem>>)
      tpu.yield
    }) : () -> ()
    %dma_start3A = arith.constant 0 : i32
    %dma_start3A_11 = arith.constant 0 : i32
    %dma_start3A_12 = tpu.memref_slice %arg2[%dma_start3A, %dma_start3A_11] : memref<10000x128xf32, #tpu.memory_space<hbm>> -> memref<10000x128xf32, #tpu.memory_space<hbm>>
    tpu.enqueue_indirect_dma source(%dma_start3A_12 : memref<10000x128xf32, #tpu.memory_space<hbm>>) target(%arg11 : memref<128x128xf32, #tpu.memory_space<vmem>>) offsets(%arg7 : memref<128xi32, #tpu.memory_space<vmem>>) semaphore(%arg14 : memref<!tpu.dma_semaphore, #tpu.memory_space<semaphore_mem>>)
    %add3A_13 = arith.constant 128 : i32
    %add3A_14 = arith.addi %select_n3A, %add3A_13 : i32
    %dma_start3A_15 = tpu.memref_slice %arg3[%add3A_14] : memref<323840xi32, #tpu.memory_space<hbm>> -> memref<128xi32, #tpu.memory_space<hbm>>
    %dma_start3A_16 = tpu.memref_slice %arg3[%add3A_14] : memref<323840xi32, #tpu.memory_space<hbm>> -> memref<128xi32, #tpu.memory_space<hbm>>
    tpu.enqueue_dma source(%dma_start3A_16 : memref<128xi32, #tpu.memory_space<hbm>>) target(%arg8 : memref<128xi32, #tpu.memory_space<vmem>>) target_semaphore(%arg17 : memref<!tpu.dma_semaphore, #tpu.memory_space<semaphore_mem>>)
    %add3A_17 = arith.constant 128 : i32
    %add3A_18 = arith.addi %select_n3A, %add3A_17 : i32
    %dma_start3A_19 = tpu.memref_slice %arg4[%add3A_18] : memref<323840xi32, #tpu.memory_space<hbm>> -> memref<128xi32, #tpu.memory_space<hbm>>
    %dma_start3A_20 = tpu.memref_slice %arg4[%add3A_18] : memref<323840xi32, #tpu.memory_space<hbm>> -> memref<128xi32, #tpu.memory_space<hbm>>
    tpu.enqueue_dma source(%dma_start3A_20 : memref<128xi32, #tpu.memory_space<hbm>>) target(%arg10 : memref<128xi32, #tpu.memory_space<vmem>>) target_semaphore(%arg17 : memref<!tpu.dma_semaphore, #tpu.memory_space<semaphore_mem>>)
    %jit3A_21 = arith.constant 2 : i32
    %div3A = arith.divsi %select_n3A_8, %jit3A_21 : i32
    %sign3A = arith.constant 0 : i32
    %sign3A_22 = arith.cmpi sgt, %select_n3A_8, %sign3A : i32
    %sign3A_23 = arith.extui %sign3A_22 : i1 to i32
    %sign3A_24 = arith.constant 0 : i32
    %sign3A_25 = arith.cmpi slt, %select_n3A_8, %sign3A_24 : i32
    %sign3A_26 = arith.extui %sign3A_25 : i1 to i32
    %sign3A_27 = arith.subi %sign3A_23, %sign3A_26 : i32
    %sign3A_28 = arith.constant 0 : i32
    %sign3A_29 = arith.cmpi sgt, %jit3A_21, %sign3A_28 : i32
    %sign3A_30 = arith.extui %sign3A_29 : i1 to i32
    %sign3A_31 = arith.constant 0 : i32
    %sign3A_32 = arith.cmpi slt, %jit3A_21, %sign3A_31 : i32
    %sign3A_33 = arith.extui %sign3A_32 : i1 to i32
    %sign3A_34 = arith.subi %sign3A_30, %sign3A_33 : i32
    %ne3A = arith.cmpi ne, %sign3A_27, %sign3A_34 : i32
    %rem3A = arith.remsi %select_n3A_8, %jit3A_21 : i32
    %ne3A_35 = arith.constant 0 : i32
    %ne3A_36 = arith.cmpi ne, %rem3A, %ne3A_35 : i32
    %and3A = arith.andi %ne3A, %ne3A_36 : i1
    %sub3A = arith.constant 1 : i32
    %sub3A_37 = arith.subi %div3A, %sub3A : i32
    %select_n3A_38 = arith.select %and3A, %sub3A_37, %div3A : i32
    %while3A = arith.constant 0 : i32
    %while3A_39 = arith.constant 0 : i32
    %while3A_40 = arith.subi %select_n3A_38, %while3A_39 : i32
    %while3A_41 = arith.addi %while3A_39, %while3A_40 : i32
    %while3A_42 = arith.constant 1 : i32
    %while3A_43 = arith.divsi %while3A_40, %while3A_42 : i32
    %while3A_44 = arith.muli %while3A_43, %while3A_42 : i32
    %while3A_45 = arith.addi %while3A_39, %while3A_44 : i32
    %while3A_46 = arith.constant 1 : i32
    scf.for %while3A_62 = %while3A_39 to %while3A_45 step %while3A_46  : i32 {
      %mul3A_63 = arith.constant 2 : i32
      %mul3A_64 = arith.muli %mul3A_63, %while3A_62 : i32
      %dma_wait3A_65 = tpu.memref_slice %arg3[%select_n3A] : memref<323840xi32, #tpu.memory_space<hbm>> -> memref<128xi32, #tpu.memory_space<hbm>>
      %dma_wait3A_66 = tpu.memref_slice %arg3[%select_n3A] : memref<323840xi32, #tpu.memory_space<hbm>> -> memref<128xi32, #tpu.memory_space<hbm>>
      tpu.wait_dma2 semaphore(%arg17 : memref<!tpu.dma_semaphore, #tpu.memory_space<semaphore_mem>>) src(%dma_wait3A_66 : memref<128xi32, #tpu.memory_space<hbm>>) dst(%arg8 : memref<128xi32, #tpu.memory_space<vmem>>)
      %dma_wait3A_67 = tpu.memref_slice %arg4[%select_n3A] : memref<323840xi32, #tpu.memory_space<hbm>> -> memref<128xi32, #tpu.memory_space<hbm>>
      %dma_wait3A_68 = tpu.memref_slice %arg4[%select_n3A] : memref<323840xi32, #tpu.memory_space<hbm>> -> memref<128xi32, #tpu.memory_space<hbm>>
      tpu.wait_dma2 semaphore(%arg17 : memref<!tpu.dma_semaphore, #tpu.memory_space<semaphore_mem>>) src(%dma_wait3A_68 : memref<128xi32, #tpu.memory_space<hbm>>) dst(%arg10 : memref<128xi32, #tpu.memory_space<vmem>>)
      %dma_start3A_69 = arith.constant 0 : i32
      %dma_start3A_70 = arith.constant 0 : i32
      %dma_start3A_71 = tpu.memref_slice %arg2[%dma_start3A_69, %dma_start3A_70] : memref<10000x128xf32, #tpu.memory_space<hbm>> -> memref<10000x128xf32, #tpu.memory_space<hbm>>
      tpu.enqueue_indirect_dma source(%dma_start3A_71 : memref<10000x128xf32, #tpu.memory_space<hbm>>) target(%arg12 : memref<128x128xf32, #tpu.memory_space<vmem>>) offsets(%arg8 : memref<128xi32, #tpu.memory_space<vmem>>) semaphore(%arg15 : memref<!tpu.dma_semaphore, #tpu.memory_space<semaphore_mem>>)
      %dma_wait3A_72 = arith.constant 0 : i32
      %dma_wait3A_73 = arith.constant 0 : i32
      %dma_wait3A_74 = tpu.memref_slice %arg2[%dma_wait3A_72, %dma_wait3A_73] : memref<10000x128xf32, #tpu.memory_space<hbm>> -> memref<10000x128xf32, #tpu.memory_space<hbm>>
      tpu.wait_indirect_dma semaphore(%arg14 : memref<!tpu.dma_semaphore, #tpu.memory_space<semaphore_mem>>) src(%dma_wait3A_74 : memref<10000x128xf32, #tpu.memory_space<hbm>>) dst(%arg11 : memref<128x128xf32, #tpu.memory_space<vmem>>)
      "tpu.region"() ({
        %run_scoped3A = tpu.sem_alloc : memref<!tpu.dma_semaphore, #tpu.memory_space<semaphore_mem>>
        %dma_start3A_109 = arith.constant 0 : i32
        %dma_start3A_110 = arith.constant 0 : i32
        %dma_start3A_111 = tpu.memref_slice %arg13[%dma_start3A_109, %dma_start3A_110] : memref<10112x128xf32, #tpu.memory_space<vmem_shared>> -> memref<10112x128xf32, #tpu.memory_space<vmem_shared>>
        tpu.enqueue_indirect_dma source(%arg11 : memref<128x128xf32, #tpu.memory_space<vmem>>) target(%dma_start3A_111 : memref<10112x128xf32, #tpu.memory_space<vmem_shared>>) offsets(%arg9 : memref<128xi32, #tpu.memory_space<vmem>>) semaphore(%run_scoped3A : memref<!tpu.dma_semaphore, #tpu.memory_space<semaphore_mem>>) {add = true}
        %dma_wait3A_112 = arith.constant 0 : i32
        %dma_wait3A_113 = arith.constant 0 : i32
        %dma_wait3A_114 = tpu.memref_slice %arg13[%dma_wait3A_112, %dma_wait3A_113] : memref<10112x128xf32, #tpu.memory_space<vmem_shared>> -> memref<10112x128xf32, #tpu.memory_space<vmem_shared>>
        tpu.wait_indirect_dma semaphore(%run_scoped3A : memref<!tpu.dma_semaphore, #tpu.memory_space<semaphore_mem>>) src(%arg11 : memref<128x128xf32, #tpu.memory_space<vmem>>) dst(%dma_wait3A_114 : memref<10112x128xf32, #tpu.memory_space<vmem_shared>>)
        tpu.yield
      }) : () -> ()
      %add3A_75 = arith.constant 2 : i32
      %add3A_76 = arith.addi %mul3A_64, %add3A_75 : i32
      %mul3A_77 = arith.constant 128 : i32
      %mul3A_78 = arith.muli %add3A_76, %mul3A_77 : i32
      %add3A_79 = arith.addi %select_n3A, %mul3A_78 : i32
      %dma_start3A_80 = tpu.memref_slice %arg3[%add3A_79] : memref<323840xi32, #tpu.memory_space<hbm>> -> memref<128xi32, #tpu.memory_space<hbm>>
      %dma_start3A_81 = tpu.memref_slice %arg3[%add3A_79] : memref<323840xi32, #tpu.memory_space<hbm>> -> memref<128xi32, #tpu.memory_space<hbm>>
      tpu.enqueue_dma source(%dma_start3A_81 : memref<128xi32, #tpu.memory_space<hbm>>) target(%arg7 : memref<128xi32, #tpu.memory_space<vmem>>) target_semaphore(%arg16 : memref<!tpu.dma_semaphore, #tpu.memory_space<semaphore_mem>>)
      %mul3A_82 = arith.constant 128 : i32
      %mul3A_83 = arith.muli %add3A_76, %mul3A_82 : i32
      %add3A_84 = arith.addi %select_n3A, %mul3A_83 : i32
      %dma_start3A_85 = tpu.memref_slice %arg4[%add3A_84] : memref<323840xi32, #tpu.memory_space<hbm>> -> memref<128xi32, #tpu.memory_space<hbm>>
      %dma_start3A_86 = tpu.memref_slice %arg4[%add3A_84] : memref<323840xi32, #tpu.memory_space<hbm>> -> memref<128xi32, #tpu.memory_space<hbm>>
      tpu.enqueue_dma source(%dma_start3A_86 : memref<128xi32, #tpu.memory_space<hbm>>) target(%arg9 : memref<128xi32, #tpu.memory_space<vmem>>) target_semaphore(%arg16 : memref<!tpu.dma_semaphore, #tpu.memory_space<semaphore_mem>>)
      %dma_wait3A_87 = tpu.memref_slice %arg3[%select_n3A] : memref<323840xi32, #tpu.memory_space<hbm>> -> memref<128xi32, #tpu.memory_space<hbm>>
      %dma_wait3A_88 = tpu.memref_slice %arg3[%select_n3A] : memref<323840xi32, #tpu.memory_space<hbm>> -> memref<128xi32, #tpu.memory_space<hbm>>
      tpu.wait_dma2 semaphore(%arg16 : memref<!tpu.dma_semaphore, #tpu.memory_space<semaphore_mem>>) src(%dma_wait3A_88 : memref<128xi32, #tpu.memory_space<hbm>>) dst(%arg7 : memref<128xi32, #tpu.memory_space<vmem>>)
      %dma_wait3A_89 = tpu.memref_slice %arg4[%select_n3A] : memref<323840xi32, #tpu.memory_space<hbm>> -> memref<128xi32, #tpu.memory_space<hbm>>
      %dma_wait3A_90 = tpu.memref_slice %arg4[%select_n3A] : memref<323840xi32, #tpu.memory_space<hbm>> -> memref<128xi32, #tpu.memory_space<hbm>>
      tpu.wait_dma2 semaphore(%arg16 : memref<!tpu.dma_semaphore, #tpu.memory_space<semaphore_mem>>) src(%dma_wait3A_90 : memref<128xi32, #tpu.memory_space<hbm>>) dst(%arg9 : memref<128xi32, #tpu.memory_space<vmem>>)
      %dma_start3A_91 = arith.constant 0 : i32
      %dma_start3A_92 = arith.constant 0 : i32
      %dma_start3A_93 = tpu.memref_slice %arg2[%dma_start3A_91, %dma_start3A_92] : memref<10000x128xf32, #tpu.memory_space<hbm>> -> memref<10000x128xf32, #tpu.memory_space<hbm>>
      tpu.enqueue_indirect_dma source(%dma_start3A_93 : memref<10000x128xf32, #tpu.memory_space<hbm>>) target(%arg11 : memref<128x128xf32, #tpu.memory_space<vmem>>) offsets(%arg7 : memref<128xi32, #tpu.memory_space<vmem>>) semaphore(%arg14 : memref<!tpu.dma_semaphore, #tpu.memory_space<semaphore_mem>>)
      %dma_wait3A_94 = arith.constant 0 : i32
      %dma_wait3A_95 = arith.constant 0 : i32
      %dma_wait3A_96 = tpu.memref_slice %arg2[%dma_wait3A_94, %dma_wait3A_95] : memref<10000x128xf32, #tpu.memory_space<hbm>> -> memref<10000x128xf32, #tpu.memory_space<hbm>>
      tpu.wait_indirect_dma semaphore(%arg15 : memref<!tpu.dma_semaphore, #tpu.memory_space<semaphore_mem>>) src(%dma_wait3A_96 : memref<10000x128xf32, #tpu.memory_space<hbm>>) dst(%arg12 : memref<128x128xf32, #tpu.memory_space<vmem>>)
      "tpu.region"() ({
        %run_scoped3A = tpu.sem_alloc : memref<!tpu.dma_semaphore, #tpu.memory_space<semaphore_mem>>
        %dma_start3A_109 = arith.constant 0 : i32
        %dma_start3A_110 = arith.constant 0 : i32
        %dma_start3A_111 = tpu.memref_slice %arg13[%dma_start3A_109, %dma_start3A_110] : memref<10112x128xf32, #tpu.memory_space<vmem_shared>> -> memref<10112x128xf32, #tpu.memory_space<vmem_shared>>
        tpu.enqueue_indirect_dma source(%arg12 : memref<128x128xf32, #tpu.memory_space<vmem>>) target(%dma_start3A_111 : memref<10112x128xf32, #tpu.memory_space<vmem_shared>>) offsets(%arg10 : memref<128xi32, #tpu.memory_space<vmem>>) semaphore(%run_scoped3A : memref<!tpu.dma_semaphore, #tpu.memory_space<semaphore_mem>>) {add = true}
        %dma_wait3A_112 = arith.constant 0 : i32
        %dma_wait3A_113 = arith.constant 0 : i32
        %dma_wait3A_114 = tpu.memref_slice %arg13[%dma_wait3A_112, %dma_wait3A_113] : memref<10112x128xf32, #tpu.memory_space<vmem_shared>> -> memref<10112x128xf32, #tpu.memory_space<vmem_shared>>
        tpu.wait_indirect_dma semaphore(%run_scoped3A : memref<!tpu.dma_semaphore, #tpu.memory_space<semaphore_mem>>) src(%arg12 : memref<128x128xf32, #tpu.memory_space<vmem>>) dst(%dma_wait3A_114 : memref<10112x128xf32, #tpu.memory_space<vmem_shared>>)
        tpu.yield
      }) : () -> ()
      %add3A_97 = arith.constant 3 : i32
      %add3A_98 = arith.addi %mul3A_64, %add3A_97 : i32
      %mul3A_99 = arith.constant 128 : i32
      %mul3A_100 = arith.muli %add3A_98, %mul3A_99 : i32
      %add3A_101 = arith.addi %select_n3A, %mul3A_100 : i32
      %dma_start3A_102 = tpu.memref_slice %arg3[%add3A_101] : memref<323840xi32, #tpu.memory_space<hbm>> -> memref<128xi32, #tpu.memory_space<hbm>>
      %dma_start3A_103 = tpu.memref_slice %arg3[%add3A_101] : memref<323840xi32, #tpu.memory_space<hbm>> -> memref<128xi32, #tpu.memory_space<hbm>>
      tpu.enqueue_dma source(%dma_start3A_103 : memref<128xi32, #tpu.memory_space<hbm>>) target(%arg8 : memref<128xi32, #tpu.memory_space<vmem>>) target_semaphore(%arg17 : memref<!tpu.dma_semaphore, #tpu.memory_space<semaphore_mem>>)
      %mul3A_104 = arith.constant 128 : i32
      %mul3A_105 = arith.muli %add3A_98, %mul3A_104 : i32
      %add3A_106 = arith.addi %select_n3A, %mul3A_105 : i32
      %dma_start3A_107 = tpu.memref_slice %arg4[%add3A_106] : memref<323840xi32, #tpu.memory_space<hbm>> -> memref<128xi32, #tpu.memory_space<hbm>>
      %dma_start3A_108 = tpu.memref_slice %arg4[%add3A_106] : memref<323840xi32, #tpu.memory_space<hbm>> -> memref<128xi32, #tpu.memory_space<hbm>>
      tpu.enqueue_dma source(%dma_start3A_108 : memref<128xi32, #tpu.memory_space<hbm>>) target(%arg10 : memref<128xi32, #tpu.memory_space<vmem>>) target_semaphore(%arg17 : memref<!tpu.dma_semaphore, #tpu.memory_space<semaphore_mem>>)
    }
    %while3A_47 = arith.constant 1 : i32
    scf.for %while3A_62 = %while3A_45 to %while3A_41 step %while3A_47  : i32 {
      %mul3A_63 = arith.constant 2 : i32
      %mul3A_64 = arith.muli %mul3A_63, %while3A_62 : i32
      %dma_wait3A_65 = tpu.memref_slice %arg3[%select_n3A] : memref<323840xi32, #tpu.memory_space<hbm>> -> memref<128xi32, #tpu.memory_space<hbm>>
      %dma_wait3A_66 = tpu.memref_slice %arg3[%select_n3A] : memref<323840xi32, #tpu.memory_space<hbm>> -> memref<128xi32, #tpu.memory_space<hbm>>
      tpu.wait_dma2 semaphore(%arg17 : memref<!tpu.dma_semaphore, #tpu.memory_space<semaphore_mem>>) src(%dma_wait3A_66 : memref<128xi32, #tpu.memory_space<hbm>>) dst(%arg8 : memref<128xi32, #tpu.memory_space<vmem>>)
      %dma_wait3A_67 = tpu.memref_slice %arg4[%select_n3A] : memref<323840xi32, #tpu.memory_space<hbm>> -> memref<128xi32, #tpu.memory_space<hbm>>
      %dma_wait3A_68 = tpu.memref_slice %arg4[%select_n3A] : memref<323840xi32, #tpu.memory_space<hbm>> -> memref<128xi32, #tpu.memory_space<hbm>>
      tpu.wait_dma2 semaphore(%arg17 : memref<!tpu.dma_semaphore, #tpu.memory_space<semaphore_mem>>) src(%dma_wait3A_68 : memref<128xi32, #tpu.memory_space<hbm>>) dst(%arg10 : memref<128xi32, #tpu.memory_space<vmem>>)
      %dma_start3A_69 = arith.constant 0 : i32
      %dma_start3A_70 = arith.constant 0 : i32
      %dma_start3A_71 = tpu.memref_slice %arg2[%dma_start3A_69, %dma_start3A_70] : memref<10000x128xf32, #tpu.memory_space<hbm>> -> memref<10000x128xf32, #tpu.memory_space<hbm>>
      tpu.enqueue_indirect_dma source(%dma_start3A_71 : memref<10000x128xf32, #tpu.memory_space<hbm>>) target(%arg12 : memref<128x128xf32, #tpu.memory_space<vmem>>) offsets(%arg8 : memref<128xi32, #tpu.memory_space<vmem>>) semaphore(%arg15 : memref<!tpu.dma_semaphore, #tpu.memory_space<semaphore_mem>>)
      %dma_wait3A_72 = arith.constant 0 : i32
      %dma_wait3A_73 = arith.constant 0 : i32
      %dma_wait3A_74 = tpu.memref_slice %arg2[%dma_wait3A_72, %dma_wait3A_73] : memref<10000x128xf32, #tpu.memory_space<hbm>> -> memref<10000x128xf32, #tpu.memory_space<hbm>>
      tpu.wait_indirect_dma semaphore(%arg14 : memref<!tpu.dma_semaphore, #tpu.memory_space<semaphore_mem>>) src(%dma_wait3A_74 : memref<10000x128xf32, #tpu.memory_space<hbm>>) dst(%arg11 : memref<128x128xf32, #tpu.memory_space<vmem>>)
      "tpu.region"() ({
        %run_scoped3A = tpu.sem_alloc : memref<!tpu.dma_semaphore, #tpu.memory_space<semaphore_mem>>
        %dma_start3A_109 = arith.constant 0 : i32
        %dma_start3A_110 = arith.constant 0 : i32
        %dma_start3A_111 = tpu.memref_slice %arg13[%dma_start3A_109, %dma_start3A_110] : memref<10112x128xf32, #tpu.memory_space<vmem_shared>> -> memref<10112x128xf32, #tpu.memory_space<vmem_shared>>
        tpu.enqueue_indirect_dma source(%arg11 : memref<128x128xf32, #tpu.memory_space<vmem>>) target(%dma_start3A_111 : memref<10112x128xf32, #tpu.memory_space<vmem_shared>>) offsets(%arg9 : memref<128xi32, #tpu.memory_space<vmem>>) semaphore(%run_scoped3A : memref<!tpu.dma_semaphore, #tpu.memory_space<semaphore_mem>>) {add = true}
        %dma_wait3A_112 = arith.constant 0 : i32
        %dma_wait3A_113 = arith.constant 0 : i32
        %dma_wait3A_114 = tpu.memref_slice %arg13[%dma_wait3A_112, %dma_wait3A_113] : memref<10112x128xf32, #tpu.memory_space<vmem_shared>> -> memref<10112x128xf32, #tpu.memory_space<vmem_shared>>
        tpu.wait_indirect_dma semaphore(%run_scoped3A : memref<!tpu.dma_semaphore, #tpu.memory_space<semaphore_mem>>) src(%arg11 : memref<128x128xf32, #tpu.memory_space<vmem>>) dst(%dma_wait3A_114 : memref<10112x128xf32, #tpu.memory_space<vmem_shared>>)
        tpu.yield
      }) : () -> ()
      %add3A_75 = arith.constant 2 : i32
      %add3A_76 = arith.addi %mul3A_64, %add3A_75 : i32
      %mul3A_77 = arith.constant 128 : i32
      %mul3A_78 = arith.muli %add3A_76, %mul3A_77 : i32
      %add3A_79 = arith.addi %select_n3A, %mul3A_78 : i32
      %dma_start3A_80 = tpu.memref_slice %arg3[%add3A_79] : memref<323840xi32, #tpu.memory_space<hbm>> -> memref<128xi32, #tpu.memory_space<hbm>>
      %dma_start3A_81 = tpu.memref_slice %arg3[%add3A_79] : memref<323840xi32, #tpu.memory_space<hbm>> -> memref<128xi32, #tpu.memory_space<hbm>>
      tpu.enqueue_dma source(%dma_start3A_81 : memref<128xi32, #tpu.memory_space<hbm>>) target(%arg7 : memref<128xi32, #tpu.memory_space<vmem>>) target_semaphore(%arg16 : memref<!tpu.dma_semaphore, #tpu.memory_space<semaphore_mem>>)
      %mul3A_82 = arith.constant 128 : i32
      %mul3A_83 = arith.muli %add3A_76, %mul3A_82 : i32
      %add3A_84 = arith.addi %select_n3A, %mul3A_83 : i32
      %dma_start3A_85 = tpu.memref_slice %arg4[%add3A_84] : memref<323840xi32, #tpu.memory_space<hbm>> -> memref<128xi32, #tpu.memory_space<hbm>>
      %dma_start3A_86 = tpu.memref_slice %arg4[%add3A_84] : memref<323840xi32, #tpu.memory_space<hbm>> -> memref<128xi32, #tpu.memory_space<hbm>>
      tpu.enqueue_dma source(%dma_start3A_86 : memref<128xi32, #tpu.memory_space<hbm>>) target(%arg9 : memref<128xi32, #tpu.memory_space<vmem>>) target_semaphore(%arg16 : memref<!tpu.dma_semaphore, #tpu.memory_space<semaphore_mem>>)
      %dma_wait3A_87 = tpu.memref_slice %arg3[%select_n3A] : memref<323840xi32, #tpu.memory_space<hbm>> -> memref<128xi32, #tpu.memory_space<hbm>>
      %dma_wait3A_88 = tpu.memref_slice %arg3[%select_n3A] : memref<323840xi32, #tpu.memory_space<hbm>> -> memref<128xi32, #tpu.memory_space<hbm>>
      tpu.wait_dma2 semaphore(%arg16 : memref<!tpu.dma_semaphore, #tpu.memory_space<semaphore_mem>>) src(%dma_wait3A_88 : memref<128xi32, #tpu.memory_space<hbm>>) dst(%arg7 : memref<128xi32, #tpu.memory_space<vmem>>)
      %dma_wait3A_89 = tpu.memref_slice %arg4[%select_n3A] : memref<323840xi32, #tpu.memory_space<hbm>> -> memref<128xi32, #tpu.memory_space<hbm>>
      %dma_wait3A_90 = tpu.memref_slice %arg4[%select_n3A] : memref<323840xi32, #tpu.memory_space<hbm>> -> memref<128xi32, #tpu.memory_space<hbm>>
      tpu.wait_dma2 semaphore(%arg16 : memref<!tpu.dma_semaphore, #tpu.memory_space<semaphore_mem>>) src(%dma_wait3A_90 : memref<128xi32, #tpu.memory_space<hbm>>) dst(%arg9 : memref<128xi32, #tpu.memory_space<vmem>>)
      %dma_start3A_91 = arith.constant 0 : i32
      %dma_start3A_92 = arith.constant 0 : i32
      %dma_start3A_93 = tpu.memref_slice %arg2[%dma_start3A_91, %dma_start3A_92] : memref<10000x128xf32, #tpu.memory_space<hbm>> -> memref<10000x128xf32, #tpu.memory_space<hbm>>
      tpu.enqueue_indirect_dma source(%dma_start3A_93 : memref<10000x128xf32, #tpu.memory_space<hbm>>) target(%arg11 : memref<128x128xf32, #tpu.memory_space<vmem>>) offsets(%arg7 : memref<128xi32, #tpu.memory_space<vmem>>) semaphore(%arg14 : memref<!tpu.dma_semaphore, #tpu.memory_space<semaphore_mem>>)
      %dma_wait3A_94 = arith.constant 0 : i32
      %dma_wait3A_95 = arith.constant 0 : i32
      %dma_wait3A_96 = tpu.memref_slice %arg2[%dma_wait3A_94, %dma_wait3A_95] : memref<10000x128xf32, #tpu.memory_space<hbm>> -> memref<10000x128xf32, #tpu.memory_space<hbm>>
      tpu.wait_indirect_dma semaphore(%arg15 : memref<!tpu.dma_semaphore, #tpu.memory_space<semaphore_mem>>) src(%dma_wait3A_96 : memref<10000x128xf32, #tpu.memory_space<hbm>>) dst(%arg12 : memref<128x128xf32, #tpu.memory_space<vmem>>)
      "tpu.region"() ({
        %run_scoped3A = tpu.sem_alloc : memref<!tpu.dma_semaphore, #tpu.memory_space<semaphore_mem>>
        %dma_start3A_109 = arith.constant 0 : i32
        %dma_start3A_110 = arith.constant 0 : i32
        %dma_start3A_111 = tpu.memref_slice %arg13[%dma_start3A_109, %dma_start3A_110] : memref<10112x128xf32, #tpu.memory_space<vmem_shared>> -> memref<10112x128xf32, #tpu.memory_space<vmem_shared>>
        tpu.enqueue_indirect_dma source(%arg12 : memref<128x128xf32, #tpu.memory_space<vmem>>) target(%dma_start3A_111 : memref<10112x128xf32, #tpu.memory_space<vmem_shared>>) offsets(%arg10 : memref<128xi32, #tpu.memory_space<vmem>>) semaphore(%run_scoped3A : memref<!tpu.dma_semaphore, #tpu.memory_space<semaphore_mem>>) {add = true}
        %dma_wait3A_112 = arith.constant 0 : i32
        %dma_wait3A_113 = arith.constant 0 : i32
        %dma_wait3A_114 = tpu.memref_slice %arg13[%dma_wait3A_112, %dma_wait3A_113] : memref<10112x128xf32, #tpu.memory_space<vmem_shared>> -> memref<10112x128xf32, #tpu.memory_space<vmem_shared>>
        tpu.wait_indirect_dma semaphore(%run_scoped3A : memref<!tpu.dma_semaphore, #tpu.memory_space<semaphore_mem>>) src(%arg12 : memref<128x128xf32, #tpu.memory_space<vmem>>) dst(%dma_wait3A_114 : memref<10112x128xf32, #tpu.memory_space<vmem_shared>>)
        tpu.yield
      }) : () -> ()
      %add3A_97 = arith.constant 3 : i32
      %add3A_98 = arith.addi %mul3A_64, %add3A_97 : i32
      %mul3A_99 = arith.constant 128 : i32
      %mul3A_100 = arith.muli %add3A_98, %mul3A_99 : i32
      %add3A_101 = arith.addi %select_n3A, %mul3A_100 : i32
      %dma_start3A_102 = tpu.memref_slice %arg3[%add3A_101] : memref<323840xi32, #tpu.memory_space<hbm>> -> memref<128xi32, #tpu.memory_space<hbm>>
      %dma_start3A_103 = tpu.memref_slice %arg3[%add3A_101] : memref<323840xi32, #tpu.memory_space<hbm>> -> memref<128xi32, #tpu.memory_space<hbm>>
      tpu.enqueue_dma source(%dma_start3A_103 : memref<128xi32, #tpu.memory_space<hbm>>) target(%arg8 : memref<128xi32, #tpu.memory_space<vmem>>) target_semaphore(%arg17 : memref<!tpu.dma_semaphore, #tpu.memory_space<semaphore_mem>>)
      %mul3A_104 = arith.constant 128 : i32
      %mul3A_105 = arith.muli %add3A_98, %mul3A_104 : i32
      %add3A_106 = arith.addi %select_n3A, %mul3A_105 : i32
      %dma_start3A_107 = tpu.memref_slice %arg4[%add3A_106] : memref<323840xi32, #tpu.memory_space<hbm>> -> memref<128xi32, #tpu.memory_space<hbm>>
      %dma_start3A_108 = tpu.memref_slice %arg4[%add3A_106] : memref<323840xi32, #tpu.memory_space<hbm>> -> memref<128xi32, #tpu.memory_space<hbm>>
      tpu.enqueue_dma source(%dma_start3A_108 : memref<128xi32, #tpu.memory_space<hbm>>) target(%arg10 : memref<128xi32, #tpu.memory_space<vmem>>) target_semaphore(%arg17 : memref<!tpu.dma_semaphore, #tpu.memory_space<semaphore_mem>>)
    }
    %dma_wait3A = arith.constant 0 : i32
    %dma_wait3A_48 = arith.constant 0 : i32
    %dma_wait3A_49 = tpu.memref_slice %arg2[%dma_wait3A, %dma_wait3A_48] : memref<10000x128xf32, #tpu.memory_space<hbm>> -> memref<10000x128xf32, #tpu.memory_space<hbm>>
    tpu.wait_indirect_dma semaphore(%arg14 : memref<!tpu.dma_semaphore, #tpu.memory_space<semaphore_mem>>) src(%dma_wait3A_49 : memref<10000x128xf32, #tpu.memory_space<hbm>>) dst(%arg11 : memref<128x128xf32, #tpu.memory_space<vmem>>)
    %dma_wait3A_50 = tpu.memref_slice %arg3[%select_n3A] : memref<323840xi32, #tpu.memory_space<hbm>> -> memref<128xi32, #tpu.memory_space<hbm>>
    %dma_wait3A_51 = tpu.memref_slice %arg3[%select_n3A] : memref<323840xi32, #tpu.memory_space<hbm>> -> memref<128xi32, #tpu.memory_space<hbm>>
    tpu.wait_dma2 semaphore(%arg17 : memref<!tpu.dma_semaphore, #tpu.memory_space<semaphore_mem>>) src(%dma_wait3A_51 : memref<128xi32, #tpu.memory_space<hbm>>) dst(%arg8 : memref<128xi32, #tpu.memory_space<vmem>>)
    %dma_wait3A_52 = tpu.memref_slice %arg4[%select_n3A] : memref<323840xi32, #tpu.memory_space<hbm>> -> memref<128xi32, #tpu.memory_space<hbm>>
    %dma_wait3A_53 = tpu.memref_slice %arg4[%select_n3A] : memref<323840xi32, #tpu.memory_space<hbm>> -> memref<128xi32, #tpu.memory_space<hbm>>
    tpu.wait_dma2 semaphore(%arg17 : memref<!tpu.dma_semaphore, #tpu.memory_space<semaphore_mem>>) src(%dma_wait3A_53 : memref<128xi32, #tpu.memory_space<hbm>>) dst(%arg10 : memref<128xi32, #tpu.memory_space<vmem>>)
    %barrier3A_54 = arith.constant 0 : index
    tpu.barrier barrier_id(%barrier3A_54)
    %mul3A_55 = arith.constant 632 : i32
    %mul3A_56 = arith.muli %arg1, %mul3A_55 : i32
    %mul3A_57 = arith.constant 10112 : i32
    %mul3A_58 = arith.muli %arg0, %mul3A_57 : i32
    %mul3A_59 = arith.constant 632 : i32
    %mul3A_60 = arith.muli %arg1, %mul3A_59 : i32
    %add3A_61 = arith.addi %mul3A_58, %mul3A_60 : i32
    "tpu.region"() ({
      %run_scoped3A = tpu.sem_alloc : memref<!tpu.dma_semaphore, #tpu.memory_space<semaphore_mem>>
      %dma_start3A_62 = arith.constant 0 : i32
      %dma_start3A_63 = tpu.memref_slice %arg6[%add3A_61, %dma_start3A_62] : memref<20224x128xf32, #tpu.memory_space<hbm>> -> memref<632x128xf32, #tpu.memory_space<hbm>>
      %dma_start3A_64 = arith.constant 0 : i32
      %dma_start3A_65 = tpu.memref_slice %arg13[%mul3A_56, %dma_start3A_64] : memref<10112x128xf32, #tpu.memory_space<vmem_shared>> -> memref<632x128xf32, #tpu.memory_space<vmem_shared>>
      tpu.enqueue_dma source(%dma_start3A_65 : memref<632x128xf32, #tpu.memory_space<vmem_shared>>) target(%dma_start3A_63 : memref<632x128xf32, #tpu.memory_space<hbm>>) target_semaphore(%run_scoped3A : memref<!tpu.dma_semaphore, #tpu.memory_space<semaphore_mem>>)
      %dma_wait3A_66 = arith.constant 0 : i32
      %dma_wait3A_67 = tpu.memref_slice %arg6[%add3A_61, %dma_wait3A_66] : memref<20224x128xf32, #tpu.memory_space<hbm>> -> memref<632x128xf32, #tpu.memory_space<hbm>>
      %dma_wait3A_68 = arith.constant 0 : i32
      %dma_wait3A_69 = tpu.memref_slice %arg13[%mul3A_56, %dma_wait3A_68] : memref<10112x128xf32, #tpu.memory_space<vmem_shared>> -> memref<632x128xf32, #tpu.memory_space<vmem_shared>>
      tpu.wait_dma2 semaphore(%run_scoped3A : memref<!tpu.dma_semaphore, #tpu.memory_space<semaphore_mem>>) src(%dma_wait3A_69 : memref<632x128xf32, #tpu.memory_space<vmem_shared>>) dst(%dma_wait3A_67 : memref<632x128xf32, #tpu.memory_space<hbm>>)
      tpu.yield
    }) : () -> ()
    return
  }
}

#map = affine_map<(d0, d1) -> (0, 0)>
#map1 = affine_map<(d0, d1) -> (0)>
module attributes {stable_mosaic.version = 14 : i64} {
  func.func @_seg_sum_body(%arg0: i32, %arg1: i32, %arg2: memref<10000x128xf32, #tpu.memory_space<hbm>>, %arg3: memref<323840xi32, #tpu.memory_space<hbm>>, %arg4: memref<323840xi32, #tpu.memory_space<hbm>>, %arg5: memref<632x128xf32, #tpu.memory_space<hbm>>, %arg6: memref<20224x128xf32, #tpu.memory_space<hbm>>, %arg7: memref<128xi32, #tpu.memory_space<vmem>>, %arg8: memref<128xi32, #tpu.memory_space<vmem>>, %arg9: memref<128xi32, #tpu.memory_space<vmem>>, %arg10: memref<128xi32, #tpu.memory_space<vmem>>, %arg11: memref<128x128xf32, #tpu.memory_space<vmem>>, %arg12: memref<128x128xf32, #tpu.memory_space<vmem>>, %arg13: memref<10112x128xf32, #tpu.memory_space<vmem_shared>>, %arg14: memref<!tpu.dma_semaphore, #tpu.memory_space<semaphore_mem>>, %arg15: memref<!tpu.dma_semaphore, #tpu.memory_space<semaphore_mem>>, %arg16: memref<!tpu.dma_semaphore, #tpu.memory_space<semaphore_mem>>, %arg17: memref<!tpu.dma_semaphore, #tpu.memory_space<semaphore_mem>>) attributes {dimension_semantics = [#tpu.dimension_semantics<core_parallel>, #tpu.dimension_semantics<subcore_parallel>], iteration_bounds = array<i64: 2, 16>, scalar_prefetch = 0 : i64, scratch_operands = 11 : i64, tpu.core_type = #tpu.core_type<sc_vector_subcore>, window_params = [{transform_indices = #map}, {transform_indices = #map1}, {transform_indices = #map1}, {transform_indices = #map}, {transform_indices = #map}]} {
    %eq3A = arith.constant 0 : i32
    %eq3A_0 = arith.cmpi eq, %arg0, %eq3A : i32
    %mul3A = arith.constant 16384 : i32
    %mul3A_1 = arith.muli %arg1, %mul3A : i32
    %mul3A_2 = arith.constant 3840 : i32
    %mul3A_3 = arith.muli %arg1, %mul3A_2 : i32
    %add3A = arith.constant 262144 : i32
    %add3A_4 = arith.addi %add3A, %mul3A_3 : i32
    %select_n3A = arith.select %eq3A_0, %mul3A_1, %add3A_4 : i32
    %eq3A_5 = arith.constant 0 : i32
    %eq3A_6 = arith.cmpi eq, %arg0, %eq3A_5 : i32
    %jit3A = arith.constant 128 : i32
    %jit3A_7 = arith.constant 30 : i32
    %select_n3A_8 = arith.select %eq3A_6, %jit3A, %jit3A_7 : i32
    %mul3A_9 = arith.constant 632 : i32
    %mul3A_10 = arith.muli %arg1, %mul3A_9 : i32
    "tpu.region"() ({
      %run_scoped3A = tpu.sem_alloc : memref<!tpu.dma_semaphore, #tpu.memory_space<semaphore_mem>>
      %dma_start3A_62 = arith.constant 0 : i32
      %dma_start3A_63 = tpu.memref_slice %arg13[%mul3A_10, %dma_start3A_62] : memref<10112x128xf32, #tpu.memory_space<vmem_shared>> -> memref<632x128xf32, #tpu.memory_space<vmem_shared>>
      tpu.enqueue_dma source(%arg5 : memref<632x128xf32, #tpu.memory_space<hbm>>) target(%dma_start3A_63 : memref<632x128xf32, #tpu.memory_space<vmem_shared>>) target_semaphore(%run_scoped3A : memref<!tpu.dma_semaphore, #tpu.memory_space<semaphore_mem>>)
      %dma_wait3A_64 = arith.constant 0 : i32
      %dma_wait3A_65 = tpu.memref_slice %arg13[%mul3A_10, %dma_wait3A_64] : memref<10112x128xf32, #tpu.memory_space<vmem_shared>> -> memref<632x128xf32, #tpu.memory_space<vmem_shared>>
      tpu.wait_dma2 semaphore(%run_scoped3A : memref<!tpu.dma_semaphore, #tpu.memory_space<semaphore_mem>>) src(%arg5 : memref<632x128xf32, #tpu.memory_space<hbm>>) dst(%dma_wait3A_65 : memref<632x128xf32, #tpu.memory_space<vmem_shared>>)
      tpu.yield
    }) : () -> ()
    %barrier3A = arith.constant 0 : index
    tpu.barrier barrier_id(%barrier3A)
    "tpu.region"() ({
      %run_scoped3A = tpu.sem_alloc : memref<!tpu.dma_semaphore, #tpu.memory_space<semaphore_mem>>
      %dma_start3A_62 = tpu.memref_slice %arg3[%select_n3A] : memref<323840xi32, #tpu.memory_space<hbm>> -> memref<128xi32, #tpu.memory_space<hbm>>
      %dma_start3A_63 = tpu.memref_slice %arg3[%select_n3A] : memref<323840xi32, #tpu.memory_space<hbm>> -> memref<128xi32, #tpu.memory_space<hbm>>
      tpu.enqueue_dma source(%dma_start3A_63 : memref<128xi32, #tpu.memory_space<hbm>>) target(%arg7 : memref<128xi32, #tpu.memory_space<vmem>>) target_semaphore(%run_scoped3A : memref<!tpu.dma_semaphore, #tpu.memory_space<semaphore_mem>>)
      %dma_wait3A_64 = tpu.memref_slice %arg3[%select_n3A] : memref<323840xi32, #tpu.memory_space<hbm>> -> memref<128xi32, #tpu.memory_space<hbm>>
      %dma_wait3A_65 = tpu.memref_slice %arg3[%select_n3A] : memref<323840xi32, #tpu.memory_space<hbm>> -> memref<128xi32, #tpu.memory_space<hbm>>
      tpu.wait_dma2 semaphore(%run_scoped3A : memref<!tpu.dma_semaphore, #tpu.memory_space<semaphore_mem>>) src(%dma_wait3A_65 : memref<128xi32, #tpu.memory_space<hbm>>) dst(%arg7 : memref<128xi32, #tpu.memory_space<vmem>>)
      tpu.yield
    }) : () -> ()
    "tpu.region"() ({
      %run_scoped3A = tpu.sem_alloc : memref<!tpu.dma_semaphore, #tpu.memory_space<semaphore_mem>>
      %dma_start3A_62 = tpu.memref_slice %arg4[%select_n3A] : memref<323840xi32, #tpu.memory_space<hbm>> -> memref<128xi32, #tpu.memory_space<hbm>>
      %dma_start3A_63 = tpu.memref_slice %arg4[%select_n3A] : memref<323840xi32, #tpu.memory_space<hbm>> -> memref<128xi32, #tpu.memory_space<hbm>>
      tpu.enqueue_dma source(%dma_start3A_63 : memref<128xi32, #tpu.memory_space<hbm>>) target(%arg9 : memref<128xi32, #tpu.memory_space<vmem>>) target_semaphore(%run_scoped3A : memref<!tpu.dma_semaphore, #tpu.memory_space<semaphore_mem>>)
      %dma_wait3A_64 = tpu.memref_slice %arg4[%select_n3A] : memref<323840xi32, #tpu.memory_space<hbm>> -> memref<128xi32, #tpu.memory_space<hbm>>
      %dma_wait3A_65 = tpu.memref_slice %arg4[%select_n3A] : memref<323840xi32, #tpu.memory_space<hbm>> -> memref<128xi32, #tpu.memory_space<hbm>>
      tpu.wait_dma2 semaphore(%run_scoped3A : memref<!tpu.dma_semaphore, #tpu.memory_space<semaphore_mem>>) src(%dma_wait3A_65 : memref<128xi32, #tpu.memory_space<hbm>>) dst(%arg9 : memref<128xi32, #tpu.memory_space<vmem>>)
      tpu.yield
    }) : () -> ()
    %dma_start3A = arith.constant 0 : i32
    %dma_start3A_11 = arith.constant 0 : i32
    %dma_start3A_12 = tpu.memref_slice %arg2[%dma_start3A, %dma_start3A_11] : memref<10000x128xf32, #tpu.memory_space<hbm>> -> memref<10000x128xf32, #tpu.memory_space<hbm>>
    tpu.enqueue_indirect_dma source(%dma_start3A_12 : memref<10000x128xf32, #tpu.memory_space<hbm>>) target(%arg11 : memref<128x128xf32, #tpu.memory_space<vmem>>) offsets(%arg7 : memref<128xi32, #tpu.memory_space<vmem>>) semaphore(%arg14 : memref<!tpu.dma_semaphore, #tpu.memory_space<semaphore_mem>>)
    %add3A_13 = arith.constant 128 : i32
    %add3A_14 = arith.addi %select_n3A, %add3A_13 : i32
    %dma_start3A_15 = tpu.memref_slice %arg3[%add3A_14] : memref<323840xi32, #tpu.memory_space<hbm>> -> memref<128xi32, #tpu.memory_space<hbm>>
    %dma_start3A_16 = tpu.memref_slice %arg3[%add3A_14] : memref<323840xi32, #tpu.memory_space<hbm>> -> memref<128xi32, #tpu.memory_space<hbm>>
    tpu.enqueue_dma source(%dma_start3A_16 : memref<128xi32, #tpu.memory_space<hbm>>) target(%arg8 : memref<128xi32, #tpu.memory_space<vmem>>) target_semaphore(%arg17 : memref<!tpu.dma_semaphore, #tpu.memory_space<semaphore_mem>>)
    %add3A_17 = arith.constant 128 : i32
    %add3A_18 = arith.addi %select_n3A, %add3A_17 : i32
    %dma_start3A_19 = tpu.memref_slice %arg4[%add3A_18] : memref<323840xi32, #tpu.memory_space<hbm>> -> memref<128xi32, #tpu.memory_space<hbm>>
    %dma_start3A_20 = tpu.memref_slice %arg4[%add3A_18] : memref<323840xi32, #tpu.memory_space<hbm>> -> memref<128xi32, #tpu.memory_space<hbm>>
    tpu.enqueue_dma source(%dma_start3A_20 : memref<128xi32, #tpu.memory_space<hbm>>) target(%arg10 : memref<128xi32, #tpu.memory_space<vmem>>) target_semaphore(%arg17 : memref<!tpu.dma_semaphore, #tpu.memory_space<semaphore_mem>>)
    %jit3A_21 = arith.constant 2 : i32
    %div3A = arith.divsi %select_n3A_8, %jit3A_21 : i32
    %sign3A = arith.constant 0 : i32
    %sign3A_22 = arith.cmpi sgt, %select_n3A_8, %sign3A : i32
    %sign3A_23 = arith.extui %sign3A_22 : i1 to i32
    %sign3A_24 = arith.constant 0 : i32
    %sign3A_25 = arith.cmpi slt, %select_n3A_8, %sign3A_24 : i32
    %sign3A_26 = arith.extui %sign3A_25 : i1 to i32
    %sign3A_27 = arith.subi %sign3A_23, %sign3A_26 : i32
    %sign3A_28 = arith.constant 0 : i32
    %sign3A_29 = arith.cmpi sgt, %jit3A_21, %sign3A_28 : i32
    %sign3A_30 = arith.extui %sign3A_29 : i1 to i32
    %sign3A_31 = arith.constant 0 : i32
    %sign3A_32 = arith.cmpi slt, %jit3A_21, %sign3A_31 : i32
    %sign3A_33 = arith.extui %sign3A_32 : i1 to i32
    %sign3A_34 = arith.subi %sign3A_30, %sign3A_33 : i32
    %ne3A = arith.cmpi ne, %sign3A_27, %sign3A_34 : i32
    %rem3A = arith.remsi %select_n3A_8, %jit3A_21 : i32
    %ne3A_35 = arith.constant 0 : i32
    %ne3A_36 = arith.cmpi ne, %rem3A, %ne3A_35 : i32
    %and3A = arith.andi %ne3A, %ne3A_36 : i1
    %sub3A = arith.constant 1 : i32
    %sub3A_37 = arith.subi %div3A, %sub3A : i32
    %select_n3A_38 = arith.select %and3A, %sub3A_37, %div3A : i32
    %while3A = arith.constant 0 : i32
    %while3A_39 = arith.constant 0 : i32
    %while3A_40 = arith.subi %select_n3A_38, %while3A_39 : i32
    %while3A_41 = arith.addi %while3A_39, %while3A_40 : i32
    %while3A_42 = arith.constant 1 : i32
    %while3A_43 = arith.divsi %while3A_40, %while3A_42 : i32
    %while3A_44 = arith.muli %while3A_43, %while3A_42 : i32
    %while3A_45 = arith.addi %while3A_39, %while3A_44 : i32
    %while3A_46 = arith.constant 1 : i32
    scf.for %while3A_62 = %while3A_39 to %while3A_45 step %while3A_46  : i32 {
      %mul3A_63 = arith.constant 2 : i32
      %mul3A_64 = arith.muli %mul3A_63, %while3A_62 : i32
      %dma_wait3A_65 = tpu.memref_slice %arg3[%select_n3A] : memref<323840xi32, #tpu.memory_space<hbm>> -> memref<128xi32, #tpu.memory_space<hbm>>
      %dma_wait3A_66 = tpu.memref_slice %arg3[%select_n3A] : memref<323840xi32, #tpu.memory_space<hbm>> -> memref<128xi32, #tpu.memory_space<hbm>>
      tpu.wait_dma2 semaphore(%arg17 : memref<!tpu.dma_semaphore, #tpu.memory_space<semaphore_mem>>) src(%dma_wait3A_66 : memref<128xi32, #tpu.memory_space<hbm>>) dst(%arg8 : memref<128xi32, #tpu.memory_space<vmem>>)
      %dma_wait3A_67 = tpu.memref_slice %arg4[%select_n3A] : memref<323840xi32, #tpu.memory_space<hbm>> -> memref<128xi32, #tpu.memory_space<hbm>>
      %dma_wait3A_68 = tpu.memref_slice %arg4[%select_n3A] : memref<323840xi32, #tpu.memory_space<hbm>> -> memref<128xi32, #tpu.memory_space<hbm>>
      tpu.wait_dma2 semaphore(%arg17 : memref<!tpu.dma_semaphore, #tpu.memory_space<semaphore_mem>>) src(%dma_wait3A_68 : memref<128xi32, #tpu.memory_space<hbm>>) dst(%arg10 : memref<128xi32, #tpu.memory_space<vmem>>)
      %dma_start3A_69 = arith.constant 0 : i32
      %dma_start3A_70 = arith.constant 0 : i32
      %dma_start3A_71 = tpu.memref_slice %arg2[%dma_start3A_69, %dma_start3A_70] : memref<10000x128xf32, #tpu.memory_space<hbm>> -> memref<10000x128xf32, #tpu.memory_space<hbm>>
      tpu.enqueue_indirect_dma source(%dma_start3A_71 : memref<10000x128xf32, #tpu.memory_space<hbm>>) target(%arg12 : memref<128x128xf32, #tpu.memory_space<vmem>>) offsets(%arg8 : memref<128xi32, #tpu.memory_space<vmem>>) semaphore(%arg15 : memref<!tpu.dma_semaphore, #tpu.memory_space<semaphore_mem>>)
      %dma_wait3A_72 = arith.constant 0 : i32
      %dma_wait3A_73 = arith.constant 0 : i32
      %dma_wait3A_74 = tpu.memref_slice %arg2[%dma_wait3A_72, %dma_wait3A_73] : memref<10000x128xf32, #tpu.memory_space<hbm>> -> memref<10000x128xf32, #tpu.memory_space<hbm>>
      tpu.wait_indirect_dma semaphore(%arg14 : memref<!tpu.dma_semaphore, #tpu.memory_space<semaphore_mem>>) src(%dma_wait3A_74 : memref<10000x128xf32, #tpu.memory_space<hbm>>) dst(%arg11 : memref<128x128xf32, #tpu.memory_space<vmem>>)
      "tpu.region"() ({
        %run_scoped3A = tpu.sem_alloc : memref<!tpu.dma_semaphore, #tpu.memory_space<semaphore_mem>>
        %dma_start3A_109 = arith.constant 0 : i32
        %dma_start3A_110 = arith.constant 0 : i32
        %dma_start3A_111 = tpu.memref_slice %arg13[%dma_start3A_109, %dma_start3A_110] : memref<10112x128xf32, #tpu.memory_space<vmem_shared>> -> memref<10112x128xf32, #tpu.memory_space<vmem_shared>>
        tpu.enqueue_indirect_dma source(%arg11 : memref<128x128xf32, #tpu.memory_space<vmem>>) target(%dma_start3A_111 : memref<10112x128xf32, #tpu.memory_space<vmem_shared>>) offsets(%arg9 : memref<128xi32, #tpu.memory_space<vmem>>) semaphore(%run_scoped3A : memref<!tpu.dma_semaphore, #tpu.memory_space<semaphore_mem>>) {add = true}
        %dma_wait3A_112 = arith.constant 0 : i32
        %dma_wait3A_113 = arith.constant 0 : i32
        %dma_wait3A_114 = tpu.memref_slice %arg13[%dma_wait3A_112, %dma_wait3A_113] : memref<10112x128xf32, #tpu.memory_space<vmem_shared>> -> memref<10112x128xf32, #tpu.memory_space<vmem_shared>>
        tpu.wait_indirect_dma semaphore(%run_scoped3A : memref<!tpu.dma_semaphore, #tpu.memory_space<semaphore_mem>>) src(%arg11 : memref<128x128xf32, #tpu.memory_space<vmem>>) dst(%dma_wait3A_114 : memref<10112x128xf32, #tpu.memory_space<vmem_shared>>)
        tpu.yield
      }) : () -> ()
      %add3A_75 = arith.constant 2 : i32
      %add3A_76 = arith.addi %mul3A_64, %add3A_75 : i32
      %mul3A_77 = arith.constant 128 : i32
      %mul3A_78 = arith.muli %add3A_76, %mul3A_77 : i32
      %add3A_79 = arith.addi %select_n3A, %mul3A_78 : i32
      %dma_start3A_80 = tpu.memref_slice %arg3[%add3A_79] : memref<323840xi32, #tpu.memory_space<hbm>> -> memref<128xi32, #tpu.memory_space<hbm>>
      %dma_start3A_81 = tpu.memref_slice %arg3[%add3A_79] : memref<323840xi32, #tpu.memory_space<hbm>> -> memref<128xi32, #tpu.memory_space<hbm>>
      tpu.enqueue_dma source(%dma_start3A_81 : memref<128xi32, #tpu.memory_space<hbm>>) target(%arg7 : memref<128xi32, #tpu.memory_space<vmem>>) target_semaphore(%arg16 : memref<!tpu.dma_semaphore, #tpu.memory_space<semaphore_mem>>)
      %mul3A_82 = arith.constant 128 : i32
      %mul3A_83 = arith.muli %add3A_76, %mul3A_82 : i32
      %add3A_84 = arith.addi %select_n3A, %mul3A_83 : i32
      %dma_start3A_85 = tpu.memref_slice %arg4[%add3A_84] : memref<323840xi32, #tpu.memory_space<hbm>> -> memref<128xi32, #tpu.memory_space<hbm>>
      %dma_start3A_86 = tpu.memref_slice %arg4[%add3A_84] : memref<323840xi32, #tpu.memory_space<hbm>> -> memref<128xi32, #tpu.memory_space<hbm>>
      tpu.enqueue_dma source(%dma_start3A_86 : memref<128xi32, #tpu.memory_space<hbm>>) target(%arg9 : memref<128xi32, #tpu.memory_space<vmem>>) target_semaphore(%arg16 : memref<!tpu.dma_semaphore, #tpu.memory_space<semaphore_mem>>)
      %dma_wait3A_87 = tpu.memref_slice %arg3[%select_n3A] : memref<323840xi32, #tpu.memory_space<hbm>> -> memref<128xi32, #tpu.memory_space<hbm>>
      %dma_wait3A_88 = tpu.memref_slice %arg3[%select_n3A] : memref<323840xi32, #tpu.memory_space<hbm>> -> memref<128xi32, #tpu.memory_space<hbm>>
      tpu.wait_dma2 semaphore(%arg16 : memref<!tpu.dma_semaphore, #tpu.memory_space<semaphore_mem>>) src(%dma_wait3A_88 : memref<128xi32, #tpu.memory_space<hbm>>) dst(%arg7 : memref<128xi32, #tpu.memory_space<vmem>>)
      %dma_wait3A_89 = tpu.memref_slice %arg4[%select_n3A] : memref<323840xi32, #tpu.memory_space<hbm>> -> memref<128xi32, #tpu.memory_space<hbm>>
      %dma_wait3A_90 = tpu.memref_slice %arg4[%select_n3A] : memref<323840xi32, #tpu.memory_space<hbm>> -> memref<128xi32, #tpu.memory_space<hbm>>
      tpu.wait_dma2 semaphore(%arg16 : memref<!tpu.dma_semaphore, #tpu.memory_space<semaphore_mem>>) src(%dma_wait3A_90 : memref<128xi32, #tpu.memory_space<hbm>>) dst(%arg9 : memref<128xi32, #tpu.memory_space<vmem>>)
      %dma_start3A_91 = arith.constant 0 : i32
      %dma_start3A_92 = arith.constant 0 : i32
      %dma_start3A_93 = tpu.memref_slice %arg2[%dma_start3A_91, %dma_start3A_92] : memref<10000x128xf32, #tpu.memory_space<hbm>> -> memref<10000x128xf32, #tpu.memory_space<hbm>>
      tpu.enqueue_indirect_dma source(%dma_start3A_93 : memref<10000x128xf32, #tpu.memory_space<hbm>>) target(%arg11 : memref<128x128xf32, #tpu.memory_space<vmem>>) offsets(%arg7 : memref<128xi32, #tpu.memory_space<vmem>>) semaphore(%arg14 : memref<!tpu.dma_semaphore, #tpu.memory_space<semaphore_mem>>)
      %dma_wait3A_94 = arith.constant 0 : i32
      %dma_wait3A_95 = arith.constant 0 : i32
      %dma_wait3A_96 = tpu.memref_slice %arg2[%dma_wait3A_94, %dma_wait3A_95] : memref<10000x128xf32, #tpu.memory_space<hbm>> -> memref<10000x128xf32, #tpu.memory_space<hbm>>
      tpu.wait_indirect_dma semaphore(%arg15 : memref<!tpu.dma_semaphore, #tpu.memory_space<semaphore_mem>>) src(%dma_wait3A_96 : memref<10000x128xf32, #tpu.memory_space<hbm>>) dst(%arg12 : memref<128x128xf32, #tpu.memory_space<vmem>>)
      "tpu.region"() ({
        %run_scoped3A = tpu.sem_alloc : memref<!tpu.dma_semaphore, #tpu.memory_space<semaphore_mem>>
        %dma_start3A_109 = arith.constant 0 : i32
        %dma_start3A_110 = arith.constant 0 : i32
        %dma_start3A_111 = tpu.memref_slice %arg13[%dma_start3A_109, %dma_start3A_110] : memref<10112x128xf32, #tpu.memory_space<vmem_shared>> -> memref<10112x128xf32, #tpu.memory_space<vmem_shared>>
        tpu.enqueue_indirect_dma source(%arg12 : memref<128x128xf32, #tpu.memory_space<vmem>>) target(%dma_start3A_111 : memref<10112x128xf32, #tpu.memory_space<vmem_shared>>) offsets(%arg10 : memref<128xi32, #tpu.memory_space<vmem>>) semaphore(%run_scoped3A : memref<!tpu.dma_semaphore, #tpu.memory_space<semaphore_mem>>) {add = true}
        %dma_wait3A_112 = arith.constant 0 : i32
        %dma_wait3A_113 = arith.constant 0 : i32
        %dma_wait3A_114 = tpu.memref_slice %arg13[%dma_wait3A_112, %dma_wait3A_113] : memref<10112x128xf32, #tpu.memory_space<vmem_shared>> -> memref<10112x128xf32, #tpu.memory_space<vmem_shared>>
        tpu.wait_indirect_dma semaphore(%run_scoped3A : memref<!tpu.dma_semaphore, #tpu.memory_space<semaphore_mem>>) src(%arg12 : memref<128x128xf32, #tpu.memory_space<vmem>>) dst(%dma_wait3A_114 : memref<10112x128xf32, #tpu.memory_space<vmem_shared>>)
        tpu.yield
      }) : () -> ()
      %add3A_97 = arith.constant 3 : i32
      %add3A_98 = arith.addi %mul3A_64, %add3A_97 : i32
      %mul3A_99 = arith.constant 128 : i32
      %mul3A_100 = arith.muli %add3A_98, %mul3A_99 : i32
      %add3A_101 = arith.addi %select_n3A, %mul3A_100 : i32
      %dma_start3A_102 = tpu.memref_slice %arg3[%add3A_101] : memref<323840xi32, #tpu.memory_space<hbm>> -> memref<128xi32, #tpu.memory_space<hbm>>
      %dma_start3A_103 = tpu.memref_slice %arg3[%add3A_101] : memref<323840xi32, #tpu.memory_space<hbm>> -> memref<128xi32, #tpu.memory_space<hbm>>
      tpu.enqueue_dma source(%dma_start3A_103 : memref<128xi32, #tpu.memory_space<hbm>>) target(%arg8 : memref<128xi32, #tpu.memory_space<vmem>>) target_semaphore(%arg17 : memref<!tpu.dma_semaphore, #tpu.memory_space<semaphore_mem>>)
      %mul3A_104 = arith.constant 128 : i32
      %mul3A_105 = arith.muli %add3A_98, %mul3A_104 : i32
      %add3A_106 = arith.addi %select_n3A, %mul3A_105 : i32
      %dma_start3A_107 = tpu.memref_slice %arg4[%add3A_106] : memref<323840xi32, #tpu.memory_space<hbm>> -> memref<128xi32, #tpu.memory_space<hbm>>
      %dma_start3A_108 = tpu.memref_slice %arg4[%add3A_106] : memref<323840xi32, #tpu.memory_space<hbm>> -> memref<128xi32, #tpu.memory_space<hbm>>
      tpu.enqueue_dma source(%dma_start3A_108 : memref<128xi32, #tpu.memory_space<hbm>>) target(%arg10 : memref<128xi32, #tpu.memory_space<vmem>>) target_semaphore(%arg17 : memref<!tpu.dma_semaphore, #tpu.memory_space<semaphore_mem>>)
    }
    %while3A_47 = arith.constant 1 : i32
    scf.for %while3A_62 = %while3A_45 to %while3A_41 step %while3A_47  : i32 {
      %mul3A_63 = arith.constant 2 : i32
      %mul3A_64 = arith.muli %mul3A_63, %while3A_62 : i32
      %dma_wait3A_65 = tpu.memref_slice %arg3[%select_n3A] : memref<323840xi32, #tpu.memory_space<hbm>> -> memref<128xi32, #tpu.memory_space<hbm>>
      %dma_wait3A_66 = tpu.memref_slice %arg3[%select_n3A] : memref<323840xi32, #tpu.memory_space<hbm>> -> memref<128xi32, #tpu.memory_space<hbm>>
      tpu.wait_dma2 semaphore(%arg17 : memref<!tpu.dma_semaphore, #tpu.memory_space<semaphore_mem>>) src(%dma_wait3A_66 : memref<128xi32, #tpu.memory_space<hbm>>) dst(%arg8 : memref<128xi32, #tpu.memory_space<vmem>>)
      %dma_wait3A_67 = tpu.memref_slice %arg4[%select_n3A] : memref<323840xi32, #tpu.memory_space<hbm>> -> memref<128xi32, #tpu.memory_space<hbm>>
      %dma_wait3A_68 = tpu.memref_slice %arg4[%select_n3A] : memref<323840xi32, #tpu.memory_space<hbm>> -> memref<128xi32, #tpu.memory_space<hbm>>
      tpu.wait_dma2 semaphore(%arg17 : memref<!tpu.dma_semaphore, #tpu.memory_space<semaphore_mem>>) src(%dma_wait3A_68 : memref<128xi32, #tpu.memory_space<hbm>>) dst(%arg10 : memref<128xi32, #tpu.memory_space<vmem>>)
      %dma_start3A_69 = arith.constant 0 : i32
      %dma_start3A_70 = arith.constant 0 : i32
      %dma_start3A_71 = tpu.memref_slice %arg2[%dma_start3A_69, %dma_start3A_70] : memref<10000x128xf32, #tpu.memory_space<hbm>> -> memref<10000x128xf32, #tpu.memory_space<hbm>>
      tpu.enqueue_indirect_dma source(%dma_start3A_71 : memref<10000x128xf32, #tpu.memory_space<hbm>>) target(%arg12 : memref<128x128xf32, #tpu.memory_space<vmem>>) offsets(%arg8 : memref<128xi32, #tpu.memory_space<vmem>>) semaphore(%arg15 : memref<!tpu.dma_semaphore, #tpu.memory_space<semaphore_mem>>)
      %dma_wait3A_72 = arith.constant 0 : i32
      %dma_wait3A_73 = arith.constant 0 : i32
      %dma_wait3A_74 = tpu.memref_slice %arg2[%dma_wait3A_72, %dma_wait3A_73] : memref<10000x128xf32, #tpu.memory_space<hbm>> -> memref<10000x128xf32, #tpu.memory_space<hbm>>
      tpu.wait_indirect_dma semaphore(%arg14 : memref<!tpu.dma_semaphore, #tpu.memory_space<semaphore_mem>>) src(%dma_wait3A_74 : memref<10000x128xf32, #tpu.memory_space<hbm>>) dst(%arg11 : memref<128x128xf32, #tpu.memory_space<vmem>>)
      "tpu.region"() ({
        %run_scoped3A = tpu.sem_alloc : memref<!tpu.dma_semaphore, #tpu.memory_space<semaphore_mem>>
        %dma_start3A_109 = arith.constant 0 : i32
        %dma_start3A_110 = arith.constant 0 : i32
        %dma_start3A_111 = tpu.memref_slice %arg13[%dma_start3A_109, %dma_start3A_110] : memref<10112x128xf32, #tpu.memory_space<vmem_shared>> -> memref<10112x128xf32, #tpu.memory_space<vmem_shared>>
        tpu.enqueue_indirect_dma source(%arg11 : memref<128x128xf32, #tpu.memory_space<vmem>>) target(%dma_start3A_111 : memref<10112x128xf32, #tpu.memory_space<vmem_shared>>) offsets(%arg9 : memref<128xi32, #tpu.memory_space<vmem>>) semaphore(%run_scoped3A : memref<!tpu.dma_semaphore, #tpu.memory_space<semaphore_mem>>) {add = true}
        %dma_wait3A_112 = arith.constant 0 : i32
        %dma_wait3A_113 = arith.constant 0 : i32
        %dma_wait3A_114 = tpu.memref_slice %arg13[%dma_wait3A_112, %dma_wait3A_113] : memref<10112x128xf32, #tpu.memory_space<vmem_shared>> -> memref<10112x128xf32, #tpu.memory_space<vmem_shared>>
        tpu.wait_indirect_dma semaphore(%run_scoped3A : memref<!tpu.dma_semaphore, #tpu.memory_space<semaphore_mem>>) src(%arg11 : memref<128x128xf32, #tpu.memory_space<vmem>>) dst(%dma_wait3A_114 : memref<10112x128xf32, #tpu.memory_space<vmem_shared>>)
        tpu.yield
      }) : () -> ()
      %add3A_75 = arith.constant 2 : i32
      %add3A_76 = arith.addi %mul3A_64, %add3A_75 : i32
      %mul3A_77 = arith.constant 128 : i32
      %mul3A_78 = arith.muli %add3A_76, %mul3A_77 : i32
      %add3A_79 = arith.addi %select_n3A, %mul3A_78 : i32
      %dma_start3A_80 = tpu.memref_slice %arg3[%add3A_79] : memref<323840xi32, #tpu.memory_space<hbm>> -> memref<128xi32, #tpu.memory_space<hbm>>
      %dma_start3A_81 = tpu.memref_slice %arg3[%add3A_79] : memref<323840xi32, #tpu.memory_space<hbm>> -> memref<128xi32, #tpu.memory_space<hbm>>
      tpu.enqueue_dma source(%dma_start3A_81 : memref<128xi32, #tpu.memory_space<hbm>>) target(%arg7 : memref<128xi32, #tpu.memory_space<vmem>>) target_semaphore(%arg16 : memref<!tpu.dma_semaphore, #tpu.memory_space<semaphore_mem>>)
      %mul3A_82 = arith.constant 128 : i32
      %mul3A_83 = arith.muli %add3A_76, %mul3A_82 : i32
      %add3A_84 = arith.addi %select_n3A, %mul3A_83 : i32
      %dma_start3A_85 = tpu.memref_slice %arg4[%add3A_84] : memref<323840xi32, #tpu.memory_space<hbm>> -> memref<128xi32, #tpu.memory_space<hbm>>
      %dma_start3A_86 = tpu.memref_slice %arg4[%add3A_84] : memref<323840xi32, #tpu.memory_space<hbm>> -> memref<128xi32, #tpu.memory_space<hbm>>
      tpu.enqueue_dma source(%dma_start3A_86 : memref<128xi32, #tpu.memory_space<hbm>>) target(%arg9 : memref<128xi32, #tpu.memory_space<vmem>>) target_semaphore(%arg16 : memref<!tpu.dma_semaphore, #tpu.memory_space<semaphore_mem>>)
      %dma_wait3A_87 = tpu.memref_slice %arg3[%select_n3A] : memref<323840xi32, #tpu.memory_space<hbm>> -> memref<128xi32, #tpu.memory_space<hbm>>
      %dma_wait3A_88 = tpu.memref_slice %arg3[%select_n3A] : memref<323840xi32, #tpu.memory_space<hbm>> -> memref<128xi32, #tpu.memory_space<hbm>>
      tpu.wait_dma2 semaphore(%arg16 : memref<!tpu.dma_semaphore, #tpu.memory_space<semaphore_mem>>) src(%dma_wait3A_88 : memref<128xi32, #tpu.memory_space<hbm>>) dst(%arg7 : memref<128xi32, #tpu.memory_space<vmem>>)
      %dma_wait3A_89 = tpu.memref_slice %arg4[%select_n3A] : memref<323840xi32, #tpu.memory_space<hbm>> -> memref<128xi32, #tpu.memory_space<hbm>>
      %dma_wait3A_90 = tpu.memref_slice %arg4[%select_n3A] : memref<323840xi32, #tpu.memory_space<hbm>> -> memref<128xi32, #tpu.memory_space<hbm>>
      tpu.wait_dma2 semaphore(%arg16 : memref<!tpu.dma_semaphore, #tpu.memory_space<semaphore_mem>>) src(%dma_wait3A_90 : memref<128xi32, #tpu.memory_space<hbm>>) dst(%arg9 : memref<128xi32, #tpu.memory_space<vmem>>)
      %dma_start3A_91 = arith.constant 0 : i32
      %dma_start3A_92 = arith.constant 0 : i32
      %dma_start3A_93 = tpu.memref_slice %arg2[%dma_start3A_91, %dma_start3A_92] : memref<10000x128xf32, #tpu.memory_space<hbm>> -> memref<10000x128xf32, #tpu.memory_space<hbm>>
      tpu.enqueue_indirect_dma source(%dma_start3A_93 : memref<10000x128xf32, #tpu.memory_space<hbm>>) target(%arg11 : memref<128x128xf32, #tpu.memory_space<vmem>>) offsets(%arg7 : memref<128xi32, #tpu.memory_space<vmem>>) semaphore(%arg14 : memref<!tpu.dma_semaphore, #tpu.memory_space<semaphore_mem>>)
      %dma_wait3A_94 = arith.constant 0 : i32
      %dma_wait3A_95 = arith.constant 0 : i32
      %dma_wait3A_96 = tpu.memref_slice %arg2[%dma_wait3A_94, %dma_wait3A_95] : memref<10000x128xf32, #tpu.memory_space<hbm>> -> memref<10000x128xf32, #tpu.memory_space<hbm>>
      tpu.wait_indirect_dma semaphore(%arg15 : memref<!tpu.dma_semaphore, #tpu.memory_space<semaphore_mem>>) src(%dma_wait3A_96 : memref<10000x128xf32, #tpu.memory_space<hbm>>) dst(%arg12 : memref<128x128xf32, #tpu.memory_space<vmem>>)
      "tpu.region"() ({
        %run_scoped3A = tpu.sem_alloc : memref<!tpu.dma_semaphore, #tpu.memory_space<semaphore_mem>>
        %dma_start3A_109 = arith.constant 0 : i32
        %dma_start3A_110 = arith.constant 0 : i32
        %dma_start3A_111 = tpu.memref_slice %arg13[%dma_start3A_109, %dma_start3A_110] : memref<10112x128xf32, #tpu.memory_space<vmem_shared>> -> memref<10112x128xf32, #tpu.memory_space<vmem_shared>>
        tpu.enqueue_indirect_dma source(%arg12 : memref<128x128xf32, #tpu.memory_space<vmem>>) target(%dma_start3A_111 : memref<10112x128xf32, #tpu.memory_space<vmem_shared>>) offsets(%arg10 : memref<128xi32, #tpu.memory_space<vmem>>) semaphore(%run_scoped3A : memref<!tpu.dma_semaphore, #tpu.memory_space<semaphore_mem>>) {add = true}
        %dma_wait3A_112 = arith.constant 0 : i32
        %dma_wait3A_113 = arith.constant 0 : i32
        %dma_wait3A_114 = tpu.memref_slice %arg13[%dma_wait3A_112, %dma_wait3A_113] : memref<10112x128xf32, #tpu.memory_space<vmem_shared>> -> memref<10112x128xf32, #tpu.memory_space<vmem_shared>>
        tpu.wait_indirect_dma semaphore(%run_scoped3A : memref<!tpu.dma_semaphore, #tpu.memory_space<semaphore_mem>>) src(%arg12 : memref<128x128xf32, #tpu.memory_space<vmem>>) dst(%dma_wait3A_114 : memref<10112x128xf32, #tpu.memory_space<vmem_shared>>)
        tpu.yield
      }) : () -> ()
      %add3A_97 = arith.constant 3 : i32
      %add3A_98 = arith.addi %mul3A_64, %add3A_97 : i32
      %mul3A_99 = arith.constant 128 : i32
      %mul3A_100 = arith.muli %add3A_98, %mul3A_99 : i32
      %add3A_101 = arith.addi %select_n3A, %mul3A_100 : i32
      %dma_start3A_102 = tpu.memref_slice %arg3[%add3A_101] : memref<323840xi32, #tpu.memory_space<hbm>> -> memref<128xi32, #tpu.memory_space<hbm>>
      %dma_start3A_103 = tpu.memref_slice %arg3[%add3A_101] : memref<323840xi32, #tpu.memory_space<hbm>> -> memref<128xi32, #tpu.memory_space<hbm>>
      tpu.enqueue_dma source(%dma_start3A_103 : memref<128xi32, #tpu.memory_space<hbm>>) target(%arg8 : memref<128xi32, #tpu.memory_space<vmem>>) target_semaphore(%arg17 : memref<!tpu.dma_semaphore, #tpu.memory_space<semaphore_mem>>)
      %mul3A_104 = arith.constant 128 : i32
      %mul3A_105 = arith.muli %add3A_98, %mul3A_104 : i32
      %add3A_106 = arith.addi %select_n3A, %mul3A_105 : i32
      %dma_start3A_107 = tpu.memref_slice %arg4[%add3A_106] : memref<323840xi32, #tpu.memory_space<hbm>> -> memref<128xi32, #tpu.memory_space<hbm>>
      %dma_start3A_108 = tpu.memref_slice %arg4[%add3A_106] : memref<323840xi32, #tpu.memory_space<hbm>> -> memref<128xi32, #tpu.memory_space<hbm>>
      tpu.enqueue_dma source(%dma_start3A_108 : memref<128xi32, #tpu.memory_space<hbm>>) target(%arg10 : memref<128xi32, #tpu.memory_space<vmem>>) target_semaphore(%arg17 : memref<!tpu.dma_semaphore, #tpu.memory_space<semaphore_mem>>)
    }
    %dma_wait3A = arith.constant 0 : i32
    %dma_wait3A_48 = arith.constant 0 : i32
    %dma_wait3A_49 = tpu.memref_slice %arg2[%dma_wait3A, %dma_wait3A_48] : memref<10000x128xf32, #tpu.memory_space<hbm>> -> memref<10000x128xf32, #tpu.memory_space<hbm>>
    tpu.wait_indirect_dma semaphore(%arg14 : memref<!tpu.dma_semaphore, #tpu.memory_space<semaphore_mem>>) src(%dma_wait3A_49 : memref<10000x128xf32, #tpu.memory_space<hbm>>) dst(%arg11 : memref<128x128xf32, #tpu.memory_space<vmem>>)
    %dma_wait3A_50 = tpu.memref_slice %arg3[%select_n3A] : memref<323840xi32, #tpu.memory_space<hbm>> -> memref<128xi32, #tpu.memory_space<hbm>>
    %dma_wait3A_51 = tpu.memref_slice %arg3[%select_n3A] : memref<323840xi32, #tpu.memory_space<hbm>> -> memref<128xi32, #tpu.memory_space<hbm>>
    tpu.wait_dma2 semaphore(%arg17 : memref<!tpu.dma_semaphore, #tpu.memory_space<semaphore_mem>>) src(%dma_wait3A_51 : memref<128xi32, #tpu.memory_space<hbm>>) dst(%arg8 : memref<128xi32, #tpu.memory_space<vmem>>)
    %dma_wait3A_52 = tpu.memref_slice %arg4[%select_n3A] : memref<323840xi32, #tpu.memory_space<hbm>> -> memref<128xi32, #tpu.memory_space<hbm>>
    %dma_wait3A_53 = tpu.memref_slice %arg4[%select_n3A] : memref<323840xi32, #tpu.memory_space<hbm>> -> memref<128xi32, #tpu.memory_space<hbm>>
    tpu.wait_dma2 semaphore(%arg17 : memref<!tpu.dma_semaphore, #tpu.memory_space<semaphore_mem>>) src(%dma_wait3A_53 : memref<128xi32, #tpu.memory_space<hbm>>) dst(%arg10 : memref<128xi32, #tpu.memory_space<vmem>>)
    %barrier3A_54 = arith.constant 0 : index
    tpu.barrier barrier_id(%barrier3A_54)
    %mul3A_55 = arith.constant 632 : i32
    %mul3A_56 = arith.muli %arg1, %mul3A_55 : i32
    %mul3A_57 = arith.constant 10112 : i32
    %mul3A_58 = arith.muli %arg0, %mul3A_57 : i32
    %mul3A_59 = arith.constant 632 : i32
    %mul3A_60 = arith.muli %arg1, %mul3A_59 : i32
    %add3A_61 = arith.addi %mul3A_58, %mul3A_60 : i32
    "tpu.region"() ({
      %run_scoped3A = tpu.sem_alloc : memref<!tpu.dma_semaphore, #tpu.memory_space<semaphore_mem>>
      %dma_start3A_62 = arith.constant 0 : i32
      %dma_start3A_63 = tpu.memref_slice %arg6[%add3A_61, %dma_start3A_62] : memref<20224x128xf32, #tpu.memory_space<hbm>> -> memref<632x128xf32, #tpu.memory_space<hbm>>
      %dma_start3A_64 = arith.constant 0 : i32
      %dma_start3A_65 = tpu.memref_slice %arg13[%mul3A_56, %dma_start3A_64] : memref<10112x128xf32, #tpu.memory_space<vmem_shared>> -> memref<632x128xf32, #tpu.memory_space<vmem_shared>>
      tpu.enqueue_dma source(%dma_start3A_65 : memref<632x128xf32, #tpu.memory_space<vmem_shared>>) target(%dma_start3A_63 : memref<632x128xf32, #tpu.memory_space<hbm>>) target_semaphore(%run_scoped3A : memref<!tpu.dma_semaphore, #tpu.memory_space<semaphore_mem>>)
      %dma_wait3A_66 = arith.constant 0 : i32
      %dma_wait3A_67 = tpu.memref_slice %arg6[%add3A_61, %dma_wait3A_66] : memref<20224x128xf32, #tpu.memory_space<hbm>> -> memref<632x128xf32, #tpu.memory_space<hbm>>
      %dma_wait3A_68 = arith.constant 0 : i32
      %dma_wait3A_69 = tpu.memref_slice %arg13[%mul3A_56, %dma_wait3A_68] : memref<10112x128xf32, #tpu.memory_space<vmem_shared>> -> memref<632x128xf32, #tpu.memory_space<vmem_shared>>
      tpu.wait_dma2 semaphore(%run_scoped3A : memref<!tpu.dma_semaphore, #tpu.memory_space<semaphore_mem>>) src(%dma_wait3A_69 : memref<632x128xf32, #tpu.memory_space<vmem_shared>>) dst(%dma_wait3A_67 : memref<632x128xf32, #tpu.memory_space<hbm>>)
      tpu.yield
    }) : () -> ()
    return
  }
}

#map = affine_map<(d0, d1) -> (0, 0)>
#map1 = affine_map<(d0, d1) -> (0)>
module attributes {stable_mosaic.version = 14 : i64} {
  func.func @_seg_sum_body(%arg0: i32, %arg1: i32, %arg2: memref<10000x128xf32, #tpu.memory_space<hbm>>, %arg3: memref<323840xi32, #tpu.memory_space<hbm>>, %arg4: memref<323840xi32, #tpu.memory_space<hbm>>, %arg5: memref<632x128xf32, #tpu.memory_space<hbm>>, %arg6: memref<20224x128xf32, #tpu.memory_space<hbm>>, %arg7: memref<128xi32, #tpu.memory_space<vmem>>, %arg8: memref<128xi32, #tpu.memory_space<vmem>>, %arg9: memref<128xi32, #tpu.memory_space<vmem>>, %arg10: memref<128xi32, #tpu.memory_space<vmem>>, %arg11: memref<128x128xf32, #tpu.memory_space<vmem>>, %arg12: memref<128x128xf32, #tpu.memory_space<vmem>>, %arg13: memref<10112x128xf32, #tpu.memory_space<vmem_shared>>, %arg14: memref<!tpu.dma_semaphore, #tpu.memory_space<semaphore_mem>>, %arg15: memref<!tpu.dma_semaphore, #tpu.memory_space<semaphore_mem>>, %arg16: memref<!tpu.dma_semaphore, #tpu.memory_space<semaphore_mem>>, %arg17: memref<!tpu.dma_semaphore, #tpu.memory_space<semaphore_mem>>) attributes {dimension_semantics = [#tpu.dimension_semantics<core_parallel>, #tpu.dimension_semantics<subcore_parallel>], iteration_bounds = array<i64: 2, 16>, scalar_prefetch = 0 : i64, scratch_operands = 11 : i64, tpu.core_type = #tpu.core_type<sc_vector_subcore>, window_params = [{transform_indices = #map}, {transform_indices = #map1}, {transform_indices = #map1}, {transform_indices = #map}, {transform_indices = #map}]} {
    %eq3A = arith.constant 0 : i32
    %eq3A_0 = arith.cmpi eq, %arg0, %eq3A : i32
    %mul3A = arith.constant 16384 : i32
    %mul3A_1 = arith.muli %arg1, %mul3A : i32
    %mul3A_2 = arith.constant 3840 : i32
    %mul3A_3 = arith.muli %arg1, %mul3A_2 : i32
    %add3A = arith.constant 262144 : i32
    %add3A_4 = arith.addi %add3A, %mul3A_3 : i32
    %select_n3A = arith.select %eq3A_0, %mul3A_1, %add3A_4 : i32
    %eq3A_5 = arith.constant 0 : i32
    %eq3A_6 = arith.cmpi eq, %arg0, %eq3A_5 : i32
    %jit3A = arith.constant 128 : i32
    %jit3A_7 = arith.constant 30 : i32
    %select_n3A_8 = arith.select %eq3A_6, %jit3A, %jit3A_7 : i32
    %mul3A_9 = arith.constant 632 : i32
    %mul3A_10 = arith.muli %arg1, %mul3A_9 : i32
    "tpu.region"() ({
      %run_scoped3A = tpu.sem_alloc : memref<!tpu.dma_semaphore, #tpu.memory_space<semaphore_mem>>
      %dma_start3A_62 = arith.constant 0 : i32
      %dma_start3A_63 = tpu.memref_slice %arg13[%mul3A_10, %dma_start3A_62] : memref<10112x128xf32, #tpu.memory_space<vmem_shared>> -> memref<632x128xf32, #tpu.memory_space<vmem_shared>>
      tpu.enqueue_dma source(%arg5 : memref<632x128xf32, #tpu.memory_space<hbm>>) target(%dma_start3A_63 : memref<632x128xf32, #tpu.memory_space<vmem_shared>>) target_semaphore(%run_scoped3A : memref<!tpu.dma_semaphore, #tpu.memory_space<semaphore_mem>>)
      %dma_wait3A_64 = arith.constant 0 : i32
      %dma_wait3A_65 = tpu.memref_slice %arg13[%mul3A_10, %dma_wait3A_64] : memref<10112x128xf32, #tpu.memory_space<vmem_shared>> -> memref<632x128xf32, #tpu.memory_space<vmem_shared>>
      tpu.wait_dma2 semaphore(%run_scoped3A : memref<!tpu.dma_semaphore, #tpu.memory_space<semaphore_mem>>) src(%arg5 : memref<632x128xf32, #tpu.memory_space<hbm>>) dst(%dma_wait3A_65 : memref<632x128xf32, #tpu.memory_space<vmem_shared>>)
      tpu.yield
    }) : () -> ()
    %barrier3A = arith.constant 0 : index
    tpu.barrier barrier_id(%barrier3A)
    "tpu.region"() ({
      %run_scoped3A = tpu.sem_alloc : memref<!tpu.dma_semaphore, #tpu.memory_space<semaphore_mem>>
      %dma_start3A_62 = tpu.memref_slice %arg3[%select_n3A] : memref<323840xi32, #tpu.memory_space<hbm>> -> memref<128xi32, #tpu.memory_space<hbm>>
      %dma_start3A_63 = tpu.memref_slice %arg3[%select_n3A] : memref<323840xi32, #tpu.memory_space<hbm>> -> memref<128xi32, #tpu.memory_space<hbm>>
      tpu.enqueue_dma source(%dma_start3A_63 : memref<128xi32, #tpu.memory_space<hbm>>) target(%arg7 : memref<128xi32, #tpu.memory_space<vmem>>) target_semaphore(%run_scoped3A : memref<!tpu.dma_semaphore, #tpu.memory_space<semaphore_mem>>)
      %dma_wait3A_64 = tpu.memref_slice %arg3[%select_n3A] : memref<323840xi32, #tpu.memory_space<hbm>> -> memref<128xi32, #tpu.memory_space<hbm>>
      %dma_wait3A_65 = tpu.memref_slice %arg3[%select_n3A] : memref<323840xi32, #tpu.memory_space<hbm>> -> memref<128xi32, #tpu.memory_space<hbm>>
      tpu.wait_dma2 semaphore(%run_scoped3A : memref<!tpu.dma_semaphore, #tpu.memory_space<semaphore_mem>>) src(%dma_wait3A_65 : memref<128xi32, #tpu.memory_space<hbm>>) dst(%arg7 : memref<128xi32, #tpu.memory_space<vmem>>)
      tpu.yield
    }) : () -> ()
    "tpu.region"() ({
      %run_scoped3A = tpu.sem_alloc : memref<!tpu.dma_semaphore, #tpu.memory_space<semaphore_mem>>
      %dma_start3A_62 = tpu.memref_slice %arg4[%select_n3A] : memref<323840xi32, #tpu.memory_space<hbm>> -> memref<128xi32, #tpu.memory_space<hbm>>
      %dma_start3A_63 = tpu.memref_slice %arg4[%select_n3A] : memref<323840xi32, #tpu.memory_space<hbm>> -> memref<128xi32, #tpu.memory_space<hbm>>
      tpu.enqueue_dma source(%dma_start3A_63 : memref<128xi32, #tpu.memory_space<hbm>>) target(%arg9 : memref<128xi32, #tpu.memory_space<vmem>>) target_semaphore(%run_scoped3A : memref<!tpu.dma_semaphore, #tpu.memory_space<semaphore_mem>>)
      %dma_wait3A_64 = tpu.memref_slice %arg4[%select_n3A] : memref<323840xi32, #tpu.memory_space<hbm>> -> memref<128xi32, #tpu.memory_space<hbm>>
      %dma_wait3A_65 = tpu.memref_slice %arg4[%select_n3A] : memref<323840xi32, #tpu.memory_space<hbm>> -> memref<128xi32, #tpu.memory_space<hbm>>
      tpu.wait_dma2 semaphore(%run_scoped3A : memref<!tpu.dma_semaphore, #tpu.memory_space<semaphore_mem>>) src(%dma_wait3A_65 : memref<128xi32, #tpu.memory_space<hbm>>) dst(%arg9 : memref<128xi32, #tpu.memory_space<vmem>>)
      tpu.yield
    }) : () -> ()
    %dma_start3A = arith.constant 0 : i32
    %dma_start3A_11 = arith.constant 0 : i32
    %dma_start3A_12 = tpu.memref_slice %arg2[%dma_start3A, %dma_start3A_11] : memref<10000x128xf32, #tpu.memory_space<hbm>> -> memref<10000x128xf32, #tpu.memory_space<hbm>>
    tpu.enqueue_indirect_dma source(%dma_start3A_12 : memref<10000x128xf32, #tpu.memory_space<hbm>>) target(%arg11 : memref<128x128xf32, #tpu.memory_space<vmem>>) offsets(%arg7 : memref<128xi32, #tpu.memory_space<vmem>>) semaphore(%arg14 : memref<!tpu.dma_semaphore, #tpu.memory_space<semaphore_mem>>)
    %add3A_13 = arith.constant 128 : i32
    %add3A_14 = arith.addi %select_n3A, %add3A_13 : i32
    %dma_start3A_15 = tpu.memref_slice %arg3[%add3A_14] : memref<323840xi32, #tpu.memory_space<hbm>> -> memref<128xi32, #tpu.memory_space<hbm>>
    %dma_start3A_16 = tpu.memref_slice %arg3[%add3A_14] : memref<323840xi32, #tpu.memory_space<hbm>> -> memref<128xi32, #tpu.memory_space<hbm>>
    tpu.enqueue_dma source(%dma_start3A_16 : memref<128xi32, #tpu.memory_space<hbm>>) target(%arg8 : memref<128xi32, #tpu.memory_space<vmem>>) target_semaphore(%arg17 : memref<!tpu.dma_semaphore, #tpu.memory_space<semaphore_mem>>)
    %add3A_17 = arith.constant 128 : i32
    %add3A_18 = arith.addi %select_n3A, %add3A_17 : i32
    %dma_start3A_19 = tpu.memref_slice %arg4[%add3A_18] : memref<323840xi32, #tpu.memory_space<hbm>> -> memref<128xi32, #tpu.memory_space<hbm>>
    %dma_start3A_20 = tpu.memref_slice %arg4[%add3A_18] : memref<323840xi32, #tpu.memory_space<hbm>> -> memref<128xi32, #tpu.memory_space<hbm>>
    tpu.enqueue_dma source(%dma_start3A_20 : memref<128xi32, #tpu.memory_space<hbm>>) target(%arg10 : memref<128xi32, #tpu.memory_space<vmem>>) target_semaphore(%arg17 : memref<!tpu.dma_semaphore, #tpu.memory_space<semaphore_mem>>)
    %jit3A_21 = arith.constant 2 : i32
    %div3A = arith.divsi %select_n3A_8, %jit3A_21 : i32
    %sign3A = arith.constant 0 : i32
    %sign3A_22 = arith.cmpi sgt, %select_n3A_8, %sign3A : i32
    %sign3A_23 = arith.extui %sign3A_22 : i1 to i32
    %sign3A_24 = arith.constant 0 : i32
    %sign3A_25 = arith.cmpi slt, %select_n3A_8, %sign3A_24 : i32
    %sign3A_26 = arith.extui %sign3A_25 : i1 to i32
    %sign3A_27 = arith.subi %sign3A_23, %sign3A_26 : i32
    %sign3A_28 = arith.constant 0 : i32
    %sign3A_29 = arith.cmpi sgt, %jit3A_21, %sign3A_28 : i32
    %sign3A_30 = arith.extui %sign3A_29 : i1 to i32
    %sign3A_31 = arith.constant 0 : i32
    %sign3A_32 = arith.cmpi slt, %jit3A_21, %sign3A_31 : i32
    %sign3A_33 = arith.extui %sign3A_32 : i1 to i32
    %sign3A_34 = arith.subi %sign3A_30, %sign3A_33 : i32
    %ne3A = arith.cmpi ne, %sign3A_27, %sign3A_34 : i32
    %rem3A = arith.remsi %select_n3A_8, %jit3A_21 : i32
    %ne3A_35 = arith.constant 0 : i32
    %ne3A_36 = arith.cmpi ne, %rem3A, %ne3A_35 : i32
    %and3A = arith.andi %ne3A, %ne3A_36 : i1
    %sub3A = arith.constant 1 : i32
    %sub3A_37 = arith.subi %div3A, %sub3A : i32
    %select_n3A_38 = arith.select %and3A, %sub3A_37, %div3A : i32
    %while3A = arith.constant 0 : i32
    %while3A_39 = arith.constant 0 : i32
    %while3A_40 = arith.subi %select_n3A_38, %while3A_39 : i32
    %while3A_41 = arith.addi %while3A_39, %while3A_40 : i32
    %while3A_42 = arith.constant 1 : i32
    %while3A_43 = arith.divsi %while3A_40, %while3A_42 : i32
    %while3A_44 = arith.muli %while3A_43, %while3A_42 : i32
    %while3A_45 = arith.addi %while3A_39, %while3A_44 : i32
    %while3A_46 = arith.constant 1 : i32
    scf.for %while3A_62 = %while3A_39 to %while3A_45 step %while3A_46  : i32 {
      %mul3A_63 = arith.constant 2 : i32
      %mul3A_64 = arith.muli %mul3A_63, %while3A_62 : i32
      %dma_wait3A_65 = tpu.memref_slice %arg3[%select_n3A] : memref<323840xi32, #tpu.memory_space<hbm>> -> memref<128xi32, #tpu.memory_space<hbm>>
      %dma_wait3A_66 = tpu.memref_slice %arg3[%select_n3A] : memref<323840xi32, #tpu.memory_space<hbm>> -> memref<128xi32, #tpu.memory_space<hbm>>
      tpu.wait_dma2 semaphore(%arg17 : memref<!tpu.dma_semaphore, #tpu.memory_space<semaphore_mem>>) src(%dma_wait3A_66 : memref<128xi32, #tpu.memory_space<hbm>>) dst(%arg8 : memref<128xi32, #tpu.memory_space<vmem>>)
      %dma_wait3A_67 = tpu.memref_slice %arg4[%select_n3A] : memref<323840xi32, #tpu.memory_space<hbm>> -> memref<128xi32, #tpu.memory_space<hbm>>
      %dma_wait3A_68 = tpu.memref_slice %arg4[%select_n3A] : memref<323840xi32, #tpu.memory_space<hbm>> -> memref<128xi32, #tpu.memory_space<hbm>>
      tpu.wait_dma2 semaphore(%arg17 : memref<!tpu.dma_semaphore, #tpu.memory_space<semaphore_mem>>) src(%dma_wait3A_68 : memref<128xi32, #tpu.memory_space<hbm>>) dst(%arg10 : memref<128xi32, #tpu.memory_space<vmem>>)
      %dma_start3A_69 = arith.constant 0 : i32
      %dma_start3A_70 = arith.constant 0 : i32
      %dma_start3A_71 = tpu.memref_slice %arg2[%dma_start3A_69, %dma_start3A_70] : memref<10000x128xf32, #tpu.memory_space<hbm>> -> memref<10000x128xf32, #tpu.memory_space<hbm>>
      tpu.enqueue_indirect_dma source(%dma_start3A_71 : memref<10000x128xf32, #tpu.memory_space<hbm>>) target(%arg12 : memref<128x128xf32, #tpu.memory_space<vmem>>) offsets(%arg8 : memref<128xi32, #tpu.memory_space<vmem>>) semaphore(%arg15 : memref<!tpu.dma_semaphore, #tpu.memory_space<semaphore_mem>>)
      %dma_wait3A_72 = arith.constant 0 : i32
      %dma_wait3A_73 = arith.constant 0 : i32
      %dma_wait3A_74 = tpu.memref_slice %arg2[%dma_wait3A_72, %dma_wait3A_73] : memref<10000x128xf32, #tpu.memory_space<hbm>> -> memref<10000x128xf32, #tpu.memory_space<hbm>>
      tpu.wait_indirect_dma semaphore(%arg14 : memref<!tpu.dma_semaphore, #tpu.memory_space<semaphore_mem>>) src(%dma_wait3A_74 : memref<10000x128xf32, #tpu.memory_space<hbm>>) dst(%arg11 : memref<128x128xf32, #tpu.memory_space<vmem>>)
      "tpu.region"() ({
        %run_scoped3A = tpu.sem_alloc : memref<!tpu.dma_semaphore, #tpu.memory_space<semaphore_mem>>
        %dma_start3A_109 = arith.constant 0 : i32
        %dma_start3A_110 = arith.constant 0 : i32
        %dma_start3A_111 = tpu.memref_slice %arg13[%dma_start3A_109, %dma_start3A_110] : memref<10112x128xf32, #tpu.memory_space<vmem_shared>> -> memref<10112x128xf32, #tpu.memory_space<vmem_shared>>
        tpu.enqueue_indirect_dma source(%arg11 : memref<128x128xf32, #tpu.memory_space<vmem>>) target(%dma_start3A_111 : memref<10112x128xf32, #tpu.memory_space<vmem_shared>>) offsets(%arg9 : memref<128xi32, #tpu.memory_space<vmem>>) semaphore(%run_scoped3A : memref<!tpu.dma_semaphore, #tpu.memory_space<semaphore_mem>>) {add = true}
        %dma_wait3A_112 = arith.constant 0 : i32
        %dma_wait3A_113 = arith.constant 0 : i32
        %dma_wait3A_114 = tpu.memref_slice %arg13[%dma_wait3A_112, %dma_wait3A_113] : memref<10112x128xf32, #tpu.memory_space<vmem_shared>> -> memref<10112x128xf32, #tpu.memory_space<vmem_shared>>
        tpu.wait_indirect_dma semaphore(%run_scoped3A : memref<!tpu.dma_semaphore, #tpu.memory_space<semaphore_mem>>) src(%arg11 : memref<128x128xf32, #tpu.memory_space<vmem>>) dst(%dma_wait3A_114 : memref<10112x128xf32, #tpu.memory_space<vmem_shared>>)
        tpu.yield
      }) : () -> ()
      %add3A_75 = arith.constant 2 : i32
      %add3A_76 = arith.addi %mul3A_64, %add3A_75 : i32
      %mul3A_77 = arith.constant 128 : i32
      %mul3A_78 = arith.muli %add3A_76, %mul3A_77 : i32
      %add3A_79 = arith.addi %select_n3A, %mul3A_78 : i32
      %dma_start3A_80 = tpu.memref_slice %arg3[%add3A_79] : memref<323840xi32, #tpu.memory_space<hbm>> -> memref<128xi32, #tpu.memory_space<hbm>>
      %dma_start3A_81 = tpu.memref_slice %arg3[%add3A_79] : memref<323840xi32, #tpu.memory_space<hbm>> -> memref<128xi32, #tpu.memory_space<hbm>>
      tpu.enqueue_dma source(%dma_start3A_81 : memref<128xi32, #tpu.memory_space<hbm>>) target(%arg7 : memref<128xi32, #tpu.memory_space<vmem>>) target_semaphore(%arg16 : memref<!tpu.dma_semaphore, #tpu.memory_space<semaphore_mem>>)
      %mul3A_82 = arith.constant 128 : i32
      %mul3A_83 = arith.muli %add3A_76, %mul3A_82 : i32
      %add3A_84 = arith.addi %select_n3A, %mul3A_83 : i32
      %dma_start3A_85 = tpu.memref_slice %arg4[%add3A_84] : memref<323840xi32, #tpu.memory_space<hbm>> -> memref<128xi32, #tpu.memory_space<hbm>>
      %dma_start3A_86 = tpu.memref_slice %arg4[%add3A_84] : memref<323840xi32, #tpu.memory_space<hbm>> -> memref<128xi32, #tpu.memory_space<hbm>>
      tpu.enqueue_dma source(%dma_start3A_86 : memref<128xi32, #tpu.memory_space<hbm>>) target(%arg9 : memref<128xi32, #tpu.memory_space<vmem>>) target_semaphore(%arg16 : memref<!tpu.dma_semaphore, #tpu.memory_space<semaphore_mem>>)
      %dma_wait3A_87 = tpu.memref_slice %arg3[%select_n3A] : memref<323840xi32, #tpu.memory_space<hbm>> -> memref<128xi32, #tpu.memory_space<hbm>>
      %dma_wait3A_88 = tpu.memref_slice %arg3[%select_n3A] : memref<323840xi32, #tpu.memory_space<hbm>> -> memref<128xi32, #tpu.memory_space<hbm>>
      tpu.wait_dma2 semaphore(%arg16 : memref<!tpu.dma_semaphore, #tpu.memory_space<semaphore_mem>>) src(%dma_wait3A_88 : memref<128xi32, #tpu.memory_space<hbm>>) dst(%arg7 : memref<128xi32, #tpu.memory_space<vmem>>)
      %dma_wait3A_89 = tpu.memref_slice %arg4[%select_n3A] : memref<323840xi32, #tpu.memory_space<hbm>> -> memref<128xi32, #tpu.memory_space<hbm>>
      %dma_wait3A_90 = tpu.memref_slice %arg4[%select_n3A] : memref<323840xi32, #tpu.memory_space<hbm>> -> memref<128xi32, #tpu.memory_space<hbm>>
      tpu.wait_dma2 semaphore(%arg16 : memref<!tpu.dma_semaphore, #tpu.memory_space<semaphore_mem>>) src(%dma_wait3A_90 : memref<128xi32, #tpu.memory_space<hbm>>) dst(%arg9 : memref<128xi32, #tpu.memory_space<vmem>>)
      %dma_start3A_91 = arith.constant 0 : i32
      %dma_start3A_92 = arith.constant 0 : i32
      %dma_start3A_93 = tpu.memref_slice %arg2[%dma_start3A_91, %dma_start3A_92] : memref<10000x128xf32, #tpu.memory_space<hbm>> -> memref<10000x128xf32, #tpu.memory_space<hbm>>
      tpu.enqueue_indirect_dma source(%dma_start3A_93 : memref<10000x128xf32, #tpu.memory_space<hbm>>) target(%arg11 : memref<128x128xf32, #tpu.memory_space<vmem>>) offsets(%arg7 : memref<128xi32, #tpu.memory_space<vmem>>) semaphore(%arg14 : memref<!tpu.dma_semaphore, #tpu.memory_space<semaphore_mem>>)
      %dma_wait3A_94 = arith.constant 0 : i32
      %dma_wait3A_95 = arith.constant 0 : i32
      %dma_wait3A_96 = tpu.memref_slice %arg2[%dma_wait3A_94, %dma_wait3A_95] : memref<10000x128xf32, #tpu.memory_space<hbm>> -> memref<10000x128xf32, #tpu.memory_space<hbm>>
      tpu.wait_indirect_dma semaphore(%arg15 : memref<!tpu.dma_semaphore, #tpu.memory_space<semaphore_mem>>) src(%dma_wait3A_96 : memref<10000x128xf32, #tpu.memory_space<hbm>>) dst(%arg12 : memref<128x128xf32, #tpu.memory_space<vmem>>)
      "tpu.region"() ({
        %run_scoped3A = tpu.sem_alloc : memref<!tpu.dma_semaphore, #tpu.memory_space<semaphore_mem>>
        %dma_start3A_109 = arith.constant 0 : i32
        %dma_start3A_110 = arith.constant 0 : i32
        %dma_start3A_111 = tpu.memref_slice %arg13[%dma_start3A_109, %dma_start3A_110] : memref<10112x128xf32, #tpu.memory_space<vmem_shared>> -> memref<10112x128xf32, #tpu.memory_space<vmem_shared>>
        tpu.enqueue_indirect_dma source(%arg12 : memref<128x128xf32, #tpu.memory_space<vmem>>) target(%dma_start3A_111 : memref<10112x128xf32, #tpu.memory_space<vmem_shared>>) offsets(%arg10 : memref<128xi32, #tpu.memory_space<vmem>>) semaphore(%run_scoped3A : memref<!tpu.dma_semaphore, #tpu.memory_space<semaphore_mem>>) {add = true}
        %dma_wait3A_112 = arith.constant 0 : i32
        %dma_wait3A_113 = arith.constant 0 : i32
        %dma_wait3A_114 = tpu.memref_slice %arg13[%dma_wait3A_112, %dma_wait3A_113] : memref<10112x128xf32, #tpu.memory_space<vmem_shared>> -> memref<10112x128xf32, #tpu.memory_space<vmem_shared>>
        tpu.wait_indirect_dma semaphore(%run_scoped3A : memref<!tpu.dma_semaphore, #tpu.memory_space<semaphore_mem>>) src(%arg12 : memref<128x128xf32, #tpu.memory_space<vmem>>) dst(%dma_wait3A_114 : memref<10112x128xf32, #tpu.memory_space<vmem_shared>>)
        tpu.yield
      }) : () -> ()
      %add3A_97 = arith.constant 3 : i32
      %add3A_98 = arith.addi %mul3A_64, %add3A_97 : i32
      %mul3A_99 = arith.constant 128 : i32
      %mul3A_100 = arith.muli %add3A_98, %mul3A_99 : i32
      %add3A_101 = arith.addi %select_n3A, %mul3A_100 : i32
      %dma_start3A_102 = tpu.memref_slice %arg3[%add3A_101] : memref<323840xi32, #tpu.memory_space<hbm>> -> memref<128xi32, #tpu.memory_space<hbm>>
      %dma_start3A_103 = tpu.memref_slice %arg3[%add3A_101] : memref<323840xi32, #tpu.memory_space<hbm>> -> memref<128xi32, #tpu.memory_space<hbm>>
      tpu.enqueue_dma source(%dma_start3A_103 : memref<128xi32, #tpu.memory_space<hbm>>) target(%arg8 : memref<128xi32, #tpu.memory_space<vmem>>) target_semaphore(%arg17 : memref<!tpu.dma_semaphore, #tpu.memory_space<semaphore_mem>>)
      %mul3A_104 = arith.constant 128 : i32
      %mul3A_105 = arith.muli %add3A_98, %mul3A_104 : i32
      %add3A_106 = arith.addi %select_n3A, %mul3A_105 : i32
      %dma_start3A_107 = tpu.memref_slice %arg4[%add3A_106] : memref<323840xi32, #tpu.memory_space<hbm>> -> memref<128xi32, #tpu.memory_space<hbm>>
      %dma_start3A_108 = tpu.memref_slice %arg4[%add3A_106] : memref<323840xi32, #tpu.memory_space<hbm>> -> memref<128xi32, #tpu.memory_space<hbm>>
      tpu.enqueue_dma source(%dma_start3A_108 : memref<128xi32, #tpu.memory_space<hbm>>) target(%arg10 : memref<128xi32, #tpu.memory_space<vmem>>) target_semaphore(%arg17 : memref<!tpu.dma_semaphore, #tpu.memory_space<semaphore_mem>>)
    }
    %while3A_47 = arith.constant 1 : i32
    scf.for %while3A_62 = %while3A_45 to %while3A_41 step %while3A_47  : i32 {
      %mul3A_63 = arith.constant 2 : i32
      %mul3A_64 = arith.muli %mul3A_63, %while3A_62 : i32
      %dma_wait3A_65 = tpu.memref_slice %arg3[%select_n3A] : memref<323840xi32, #tpu.memory_space<hbm>> -> memref<128xi32, #tpu.memory_space<hbm>>
      %dma_wait3A_66 = tpu.memref_slice %arg3[%select_n3A] : memref<323840xi32, #tpu.memory_space<hbm>> -> memref<128xi32, #tpu.memory_space<hbm>>
      tpu.wait_dma2 semaphore(%arg17 : memref<!tpu.dma_semaphore, #tpu.memory_space<semaphore_mem>>) src(%dma_wait3A_66 : memref<128xi32, #tpu.memory_space<hbm>>) dst(%arg8 : memref<128xi32, #tpu.memory_space<vmem>>)
      %dma_wait3A_67 = tpu.memref_slice %arg4[%select_n3A] : memref<323840xi32, #tpu.memory_space<hbm>> -> memref<128xi32, #tpu.memory_space<hbm>>
      %dma_wait3A_68 = tpu.memref_slice %arg4[%select_n3A] : memref<323840xi32, #tpu.memory_space<hbm>> -> memref<128xi32, #tpu.memory_space<hbm>>
      tpu.wait_dma2 semaphore(%arg17 : memref<!tpu.dma_semaphore, #tpu.memory_space<semaphore_mem>>) src(%dma_wait3A_68 : memref<128xi32, #tpu.memory_space<hbm>>) dst(%arg10 : memref<128xi32, #tpu.memory_space<vmem>>)
      %dma_start3A_69 = arith.constant 0 : i32
      %dma_start3A_70 = arith.constant 0 : i32
      %dma_start3A_71 = tpu.memref_slice %arg2[%dma_start3A_69, %dma_start3A_70] : memref<10000x128xf32, #tpu.memory_space<hbm>> -> memref<10000x128xf32, #tpu.memory_space<hbm>>
      tpu.enqueue_indirect_dma source(%dma_start3A_71 : memref<10000x128xf32, #tpu.memory_space<hbm>>) target(%arg12 : memref<128x128xf32, #tpu.memory_space<vmem>>) offsets(%arg8 : memref<128xi32, #tpu.memory_space<vmem>>) semaphore(%arg15 : memref<!tpu.dma_semaphore, #tpu.memory_space<semaphore_mem>>)
      %dma_wait3A_72 = arith.constant 0 : i32
      %dma_wait3A_73 = arith.constant 0 : i32
      %dma_wait3A_74 = tpu.memref_slice %arg2[%dma_wait3A_72, %dma_wait3A_73] : memref<10000x128xf32, #tpu.memory_space<hbm>> -> memref<10000x128xf32, #tpu.memory_space<hbm>>
      tpu.wait_indirect_dma semaphore(%arg14 : memref<!tpu.dma_semaphore, #tpu.memory_space<semaphore_mem>>) src(%dma_wait3A_74 : memref<10000x128xf32, #tpu.memory_space<hbm>>) dst(%arg11 : memref<128x128xf32, #tpu.memory_space<vmem>>)
      "tpu.region"() ({
        %run_scoped3A = tpu.sem_alloc : memref<!tpu.dma_semaphore, #tpu.memory_space<semaphore_mem>>
        %dma_start3A_109 = arith.constant 0 : i32
        %dma_start3A_110 = arith.constant 0 : i32
        %dma_start3A_111 = tpu.memref_slice %arg13[%dma_start3A_109, %dma_start3A_110] : memref<10112x128xf32, #tpu.memory_space<vmem_shared>> -> memref<10112x128xf32, #tpu.memory_space<vmem_shared>>
        tpu.enqueue_indirect_dma source(%arg11 : memref<128x128xf32, #tpu.memory_space<vmem>>) target(%dma_start3A_111 : memref<10112x128xf32, #tpu.memory_space<vmem_shared>>) offsets(%arg9 : memref<128xi32, #tpu.memory_space<vmem>>) semaphore(%run_scoped3A : memref<!tpu.dma_semaphore, #tpu.memory_space<semaphore_mem>>) {add = true}
        %dma_wait3A_112 = arith.constant 0 : i32
        %dma_wait3A_113 = arith.constant 0 : i32
        %dma_wait3A_114 = tpu.memref_slice %arg13[%dma_wait3A_112, %dma_wait3A_113] : memref<10112x128xf32, #tpu.memory_space<vmem_shared>> -> memref<10112x128xf32, #tpu.memory_space<vmem_shared>>
        tpu.wait_indirect_dma semaphore(%run_scoped3A : memref<!tpu.dma_semaphore, #tpu.memory_space<semaphore_mem>>) src(%arg11 : memref<128x128xf32, #tpu.memory_space<vmem>>) dst(%dma_wait3A_114 : memref<10112x128xf32, #tpu.memory_space<vmem_shared>>)
        tpu.yield
      }) : () -> ()
      %add3A_75 = arith.constant 2 : i32
      %add3A_76 = arith.addi %mul3A_64, %add3A_75 : i32
      %mul3A_77 = arith.constant 128 : i32
      %mul3A_78 = arith.muli %add3A_76, %mul3A_77 : i32
      %add3A_79 = arith.addi %select_n3A, %mul3A_78 : i32
      %dma_start3A_80 = tpu.memref_slice %arg3[%add3A_79] : memref<323840xi32, #tpu.memory_space<hbm>> -> memref<128xi32, #tpu.memory_space<hbm>>
      %dma_start3A_81 = tpu.memref_slice %arg3[%add3A_79] : memref<323840xi32, #tpu.memory_space<hbm>> -> memref<128xi32, #tpu.memory_space<hbm>>
      tpu.enqueue_dma source(%dma_start3A_81 : memref<128xi32, #tpu.memory_space<hbm>>) target(%arg7 : memref<128xi32, #tpu.memory_space<vmem>>) target_semaphore(%arg16 : memref<!tpu.dma_semaphore, #tpu.memory_space<semaphore_mem>>)
      %mul3A_82 = arith.constant 128 : i32
      %mul3A_83 = arith.muli %add3A_76, %mul3A_82 : i32
      %add3A_84 = arith.addi %select_n3A, %mul3A_83 : i32
      %dma_start3A_85 = tpu.memref_slice %arg4[%add3A_84] : memref<323840xi32, #tpu.memory_space<hbm>> -> memref<128xi32, #tpu.memory_space<hbm>>
      %dma_start3A_86 = tpu.memref_slice %arg4[%add3A_84] : memref<323840xi32, #tpu.memory_space<hbm>> -> memref<128xi32, #tpu.memory_space<hbm>>
      tpu.enqueue_dma source(%dma_start3A_86 : memref<128xi32, #tpu.memory_space<hbm>>) target(%arg9 : memref<128xi32, #tpu.memory_space<vmem>>) target_semaphore(%arg16 : memref<!tpu.dma_semaphore, #tpu.memory_space<semaphore_mem>>)
      %dma_wait3A_87 = tpu.memref_slice %arg3[%select_n3A] : memref<323840xi32, #tpu.memory_space<hbm>> -> memref<128xi32, #tpu.memory_space<hbm>>
      %dma_wait3A_88 = tpu.memref_slice %arg3[%select_n3A] : memref<323840xi32, #tpu.memory_space<hbm>> -> memref<128xi32, #tpu.memory_space<hbm>>
      tpu.wait_dma2 semaphore(%arg16 : memref<!tpu.dma_semaphore, #tpu.memory_space<semaphore_mem>>) src(%dma_wait3A_88 : memref<128xi32, #tpu.memory_space<hbm>>) dst(%arg7 : memref<128xi32, #tpu.memory_space<vmem>>)
      %dma_wait3A_89 = tpu.memref_slice %arg4[%select_n3A] : memref<323840xi32, #tpu.memory_space<hbm>> -> memref<128xi32, #tpu.memory_space<hbm>>
      %dma_wait3A_90 = tpu.memref_slice %arg4[%select_n3A] : memref<323840xi32, #tpu.memory_space<hbm>> -> memref<128xi32, #tpu.memory_space<hbm>>
      tpu.wait_dma2 semaphore(%arg16 : memref<!tpu.dma_semaphore, #tpu.memory_space<semaphore_mem>>) src(%dma_wait3A_90 : memref<128xi32, #tpu.memory_space<hbm>>) dst(%arg9 : memref<128xi32, #tpu.memory_space<vmem>>)
      %dma_start3A_91 = arith.constant 0 : i32
      %dma_start3A_92 = arith.constant 0 : i32
      %dma_start3A_93 = tpu.memref_slice %arg2[%dma_start3A_91, %dma_start3A_92] : memref<10000x128xf32, #tpu.memory_space<hbm>> -> memref<10000x128xf32, #tpu.memory_space<hbm>>
      tpu.enqueue_indirect_dma source(%dma_start3A_93 : memref<10000x128xf32, #tpu.memory_space<hbm>>) target(%arg11 : memref<128x128xf32, #tpu.memory_space<vmem>>) offsets(%arg7 : memref<128xi32, #tpu.memory_space<vmem>>) semaphore(%arg14 : memref<!tpu.dma_semaphore, #tpu.memory_space<semaphore_mem>>)
      %dma_wait3A_94 = arith.constant 0 : i32
      %dma_wait3A_95 = arith.constant 0 : i32
      %dma_wait3A_96 = tpu.memref_slice %arg2[%dma_wait3A_94, %dma_wait3A_95] : memref<10000x128xf32, #tpu.memory_space<hbm>> -> memref<10000x128xf32, #tpu.memory_space<hbm>>
      tpu.wait_indirect_dma semaphore(%arg15 : memref<!tpu.dma_semaphore, #tpu.memory_space<semaphore_mem>>) src(%dma_wait3A_96 : memref<10000x128xf32, #tpu.memory_space<hbm>>) dst(%arg12 : memref<128x128xf32, #tpu.memory_space<vmem>>)
      "tpu.region"() ({
        %run_scoped3A = tpu.sem_alloc : memref<!tpu.dma_semaphore, #tpu.memory_space<semaphore_mem>>
        %dma_start3A_109 = arith.constant 0 : i32
        %dma_start3A_110 = arith.constant 0 : i32
        %dma_start3A_111 = tpu.memref_slice %arg13[%dma_start3A_109, %dma_start3A_110] : memref<10112x128xf32, #tpu.memory_space<vmem_shared>> -> memref<10112x128xf32, #tpu.memory_space<vmem_shared>>
        tpu.enqueue_indirect_dma source(%arg12 : memref<128x128xf32, #tpu.memory_space<vmem>>) target(%dma_start3A_111 : memref<10112x128xf32, #tpu.memory_space<vmem_shared>>) offsets(%arg10 : memref<128xi32, #tpu.memory_space<vmem>>) semaphore(%run_scoped3A : memref<!tpu.dma_semaphore, #tpu.memory_space<semaphore_mem>>) {add = true}
        %dma_wait3A_112 = arith.constant 0 : i32
        %dma_wait3A_113 = arith.constant 0 : i32
        %dma_wait3A_114 = tpu.memref_slice %arg13[%dma_wait3A_112, %dma_wait3A_113] : memref<10112x128xf32, #tpu.memory_space<vmem_shared>> -> memref<10112x128xf32, #tpu.memory_space<vmem_shared>>
        tpu.wait_indirect_dma semaphore(%run_scoped3A : memref<!tpu.dma_semaphore, #tpu.memory_space<semaphore_mem>>) src(%arg12 : memref<128x128xf32, #tpu.memory_space<vmem>>) dst(%dma_wait3A_114 : memref<10112x128xf32, #tpu.memory_space<vmem_shared>>)
        tpu.yield
      }) : () -> ()
      %add3A_97 = arith.constant 3 : i32
      %add3A_98 = arith.addi %mul3A_64, %add3A_97 : i32
      %mul3A_99 = arith.constant 128 : i32
      %mul3A_100 = arith.muli %add3A_98, %mul3A_99 : i32
      %add3A_101 = arith.addi %select_n3A, %mul3A_100 : i32
      %dma_start3A_102 = tpu.memref_slice %arg3[%add3A_101] : memref<323840xi32, #tpu.memory_space<hbm>> -> memref<128xi32, #tpu.memory_space<hbm>>
      %dma_start3A_103 = tpu.memref_slice %arg3[%add3A_101] : memref<323840xi32, #tpu.memory_space<hbm>> -> memref<128xi32, #tpu.memory_space<hbm>>
      tpu.enqueue_dma source(%dma_start3A_103 : memref<128xi32, #tpu.memory_space<hbm>>) target(%arg8 : memref<128xi32, #tpu.memory_space<vmem>>) target_semaphore(%arg17 : memref<!tpu.dma_semaphore, #tpu.memory_space<semaphore_mem>>)
      %mul3A_104 = arith.constant 128 : i32
      %mul3A_105 = arith.muli %add3A_98, %mul3A_104 : i32
      %add3A_106 = arith.addi %select_n3A, %mul3A_105 : i32
      %dma_start3A_107 = tpu.memref_slice %arg4[%add3A_106] : memref<323840xi32, #tpu.memory_space<hbm>> -> memref<128xi32, #tpu.memory_space<hbm>>
      %dma_start3A_108 = tpu.memref_slice %arg4[%add3A_106] : memref<323840xi32, #tpu.memory_space<hbm>> -> memref<128xi32, #tpu.memory_space<hbm>>
      tpu.enqueue_dma source(%dma_start3A_108 : memref<128xi32, #tpu.memory_space<hbm>>) target(%arg10 : memref<128xi32, #tpu.memory_space<vmem>>) target_semaphore(%arg17 : memref<!tpu.dma_semaphore, #tpu.memory_space<semaphore_mem>>)
    }
    %dma_wait3A = arith.constant 0 : i32
    %dma_wait3A_48 = arith.constant 0 : i32
    %dma_wait3A_49 = tpu.memref_slice %arg2[%dma_wait3A, %dma_wait3A_48] : memref<10000x128xf32, #tpu.memory_space<hbm>> -> memref<10000x128xf32, #tpu.memory_space<hbm>>
    tpu.wait_indirect_dma semaphore(%arg14 : memref<!tpu.dma_semaphore, #tpu.memory_space<semaphore_mem>>) src(%dma_wait3A_49 : memref<10000x128xf32, #tpu.memory_space<hbm>>) dst(%arg11 : memref<128x128xf32, #tpu.memory_space<vmem>>)
    %dma_wait3A_50 = tpu.memref_slice %arg3[%select_n3A] : memref<323840xi32, #tpu.memory_space<hbm>> -> memref<128xi32, #tpu.memory_space<hbm>>
    %dma_wait3A_51 = tpu.memref_slice %arg3[%select_n3A] : memref<323840xi32, #tpu.memory_space<hbm>> -> memref<128xi32, #tpu.memory_space<hbm>>
    tpu.wait_dma2 semaphore(%arg17 : memref<!tpu.dma_semaphore, #tpu.memory_space<semaphore_mem>>) src(%dma_wait3A_51 : memref<128xi32, #tpu.memory_space<hbm>>) dst(%arg8 : memref<128xi32, #tpu.memory_space<vmem>>)
    %dma_wait3A_52 = tpu.memref_slice %arg4[%select_n3A] : memref<323840xi32, #tpu.memory_space<hbm>> -> memref<128xi32, #tpu.memory_space<hbm>>
    %dma_wait3A_53 = tpu.memref_slice %arg4[%select_n3A] : memref<323840xi32, #tpu.memory_space<hbm>> -> memref<128xi32, #tpu.memory_space<hbm>>
    tpu.wait_dma2 semaphore(%arg17 : memref<!tpu.dma_semaphore, #tpu.memory_space<semaphore_mem>>) src(%dma_wait3A_53 : memref<128xi32, #tpu.memory_space<hbm>>) dst(%arg10 : memref<128xi32, #tpu.memory_space<vmem>>)
    %barrier3A_54 = arith.constant 0 : index
    tpu.barrier barrier_id(%barrier3A_54)
    %mul3A_55 = arith.constant 632 : i32
    %mul3A_56 = arith.muli %arg1, %mul3A_55 : i32
    %mul3A_57 = arith.constant 10112 : i32
    %mul3A_58 = arith.muli %arg0, %mul3A_57 : i32
    %mul3A_59 = arith.constant 632 : i32
    %mul3A_60 = arith.muli %arg1, %mul3A_59 : i32
    %add3A_61 = arith.addi %mul3A_58, %mul3A_60 : i32
    "tpu.region"() ({
      %run_scoped3A = tpu.sem_alloc : memref<!tpu.dma_semaphore, #tpu.memory_space<semaphore_mem>>
      %dma_start3A_62 = arith.constant 0 : i32
      %dma_start3A_63 = tpu.memref_slice %arg6[%add3A_61, %dma_start3A_62] : memref<20224x128xf32, #tpu.memory_space<hbm>> -> memref<632x128xf32, #tpu.memory_space<hbm>>
      %dma_start3A_64 = arith.constant 0 : i32
      %dma_start3A_65 = tpu.memref_slice %arg13[%mul3A_56, %dma_start3A_64] : memref<10112x128xf32, #tpu.memory_space<vmem_shared>> -> memref<632x128xf32, #tpu.memory_space<vmem_shared>>
      tpu.enqueue_dma source(%dma_start3A_65 : memref<632x128xf32, #tpu.memory_space<vmem_shared>>) target(%dma_start3A_63 : memref<632x128xf32, #tpu.memory_space<hbm>>) target_semaphore(%run_scoped3A : memref<!tpu.dma_semaphore, #tpu.memory_space<semaphore_mem>>)
      %dma_wait3A_66 = arith.constant 0 : i32
      %dma_wait3A_67 = tpu.memref_slice %arg6[%add3A_61, %dma_wait3A_66] : memref<20224x128xf32, #tpu.memory_space<hbm>> -> memref<632x128xf32, #tpu.memory_space<hbm>>
      %dma_wait3A_68 = arith.constant 0 : i32
      %dma_wait3A_69 = tpu.memref_slice %arg13[%mul3A_56, %dma_wait3A_68] : memref<10112x128xf32, #tpu.memory_space<vmem_shared>> -> memref<632x128xf32, #tpu.memory_space<vmem_shared>>
      tpu.wait_dma2 semaphore(%run_scoped3A : memref<!tpu.dma_semaphore, #tpu.memory_space<semaphore_mem>>) src(%dma_wait3A_69 : memref<632x128xf32, #tpu.memory_space<vmem_shared>>) dst(%dma_wait3A_67 : memref<632x128xf32, #tpu.memory_space<hbm>>)
      tpu.yield
    }) : () -> ()
    return
  }
}

module attributes {stable_mosaic.version = 14 : i64} {
  func.func @_mlp_body(%arg0: i32, %arg1: memref<1xf32, #tpu.memory_space<smem>>, %arg2: memref<1000x128xf32, #tpu.memory_space<vmem>>, %arg3: memref<1000x128xf32, #tpu.memory_space<vmem>>, %arg4: memref<1000x128xf32, #tpu.memory_space<vmem>>, %arg5: memref<128x128xf32, #tpu.memory_space<vmem>>, %arg6: memref<1x128xf32, #tpu.memory_space<vmem>>, %arg7: memref<128x128xf32, #tpu.memory_space<vmem>>, %arg8: memref<1x128xf32, #tpu.memory_space<vmem>>, %arg9: memref<1000x128xf32, #tpu.memory_space<vmem>>) attributes {dimension_semantics = [#tpu.dimension_semantics<arbitrary>], iteration_bounds = array<i64: 10>, scalar_prefetch = 0 : i64, scratch_operands = 0 : i64, tpu.core_type = #tpu.core_type<tc>, window_params = [{transform_indices = @transform_0, window_bounds = array<i64: 1>}, {transform_indices = @transform_1, window_bounds = array<i64: 1000, 128>}, {transform_indices = @transform_2, window_bounds = array<i64: 1000, 128>}, {transform_indices = @transform_3, window_bounds = array<i64: 1000, 128>}, {pipeline_mode = #tpu.pipeline_mode<synchronous>, transform_indices = @transform_4, window_bounds = array<i64: 128, 128>}, {pipeline_mode = #tpu.pipeline_mode<synchronous>, transform_indices = @transform_5, window_bounds = array<i64: 1, 128>}, {pipeline_mode = #tpu.pipeline_mode<synchronous>, transform_indices = @transform_6, window_bounds = array<i64: 128, 128>}, {pipeline_mode = #tpu.pipeline_mode<synchronous>, transform_indices = @transform_7, window_bounds = array<i64: 1, 128>}, {transform_indices = @transform_8, window_bounds = array<i64: 1000, 128>}]} {
    %get3A = arith.constant 0 : index
    %get3A_0 = memref.load %arg1[%get3A] : memref<1xf32, #tpu.memory_space<smem>>
    %add3A = arith.constant 1.000000e+00 : f32
    %add3A_1 = arith.addf %add3A, %get3A_0 : f32
    %get3A_2 = arith.constant 0 : index
    %get3A_3 = arith.constant 0 : index
    %get3A_4 = vector.load %arg2[%get3A_2, %get3A_3] : memref<1000x128xf32, #tpu.memory_space<vmem>>, vector<1000x128xf32>
    %mul3A = vector.broadcast %add3A_1 : f32 to vector<1000x128xf32>
    %mul3A_5 = arith.mulf %mul3A, %get3A_4 : vector<1000x128xf32>
    %get3A_6 = arith.constant 0 : index
    %get3A_7 = arith.constant 0 : index
    %get3A_8 = vector.load %arg3[%get3A_6, %get3A_7] : memref<1000x128xf32, #tpu.memory_space<vmem>>, vector<1000x128xf32>
    %add3A_9 = arith.addf %mul3A_5, %get3A_8 : vector<1000x128xf32>
    %get3A_10 = arith.constant 0 : index
    %get3A_11 = arith.constant 0 : index
    %get3A_12 = vector.load %arg4[%get3A_10, %get3A_11] : memref<1000x128xf32, #tpu.memory_space<vmem>>, vector<1000x128xf32>
    %add3A_13 = arith.addf %add3A_9, %get3A_12 : vector<1000x128xf32>
    %get3A_14 = arith.constant 0 : index
    %get3A_15 = arith.constant 0 : index
    %get3A_16 = vector.load %arg5[%get3A_14, %get3A_15] : memref<128x128xf32, #tpu.memory_space<vmem>>, vector<128x128xf32>
    %dot_general3A = arith.constant dense<0.000000e+00> : vector<1000x128xf32>
    %dot_general3A_17 = tpu.matmul %add3A_13, %get3A_16, %dot_general3A {dimension_numbers = #tpu.dot_dimension_numbers<[1], [0], [0], [1], [0, 0, 1, 1], [], []>, transpose_lhs_hint = false} : vector<1000x128xf32>, vector<128x128xf32>, vector<1000x128xf32> -> vector<1000x128xf32>
    %get3A_18 = arith.constant 0 : index
    %get3A_19 = arith.constant 0 : index
    %get3A_20 = vector.load %arg6[%get3A_18, %get3A_19] : memref<1x128xf32, #tpu.memory_space<vmem>>, vector<1x128xf32>
    %add3A_21 = vector.broadcast %get3A_20 : vector<1x128xf32> to vector<1000x128xf32>
    %add3A_22 = arith.addf %dot_general3A_17, %add3A_21 : vector<1000x128xf32>
    %max3A = arith.constant 0.000000e+00 : f32
    %max3A_23 = vector.broadcast %max3A : f32 to vector<1000x128xf32>
    %max3A_24 = arith.maximumf %add3A_22, %max3A_23 : vector<1000x128xf32>
    %get3A_25 = arith.constant 0 : index
    %get3A_26 = arith.constant 0 : index
    %get3A_27 = vector.load %arg7[%get3A_25, %get3A_26] : memref<128x128xf32, #tpu.memory_space<vmem>>, vector<128x128xf32>
    %dot_general3A_28 = arith.constant dense<0.000000e+00> : vector<1000x128xf32>
    %dot_general3A_29 = tpu.matmul %max3A_24, %get3A_27, %dot_general3A_28 {dimension_numbers = #tpu.dot_dimension_numbers<[1], [0], [0], [1], [0, 0, 1, 1], [], []>, transpose_lhs_hint = false} : vector<1000x128xf32>, vector<128x128xf32>, vector<1000x128xf32> -> vector<1000x128xf32>
    %get3A_30 = arith.constant 0 : index
    %get3A_31 = arith.constant 0 : index
    %get3A_32 = vector.load %arg8[%get3A_30, %get3A_31] : memref<1x128xf32, #tpu.memory_space<vmem>>, vector<1x128xf32>
    %add3A_33 = vector.broadcast %get3A_32 : vector<1x128xf32> to vector<1000x128xf32>
    %add3A_34 = arith.addf %dot_general3A_29, %add3A_33 : vector<1000x128xf32>
    %max3A_35 = arith.constant 0.000000e+00 : f32
    %max3A_36 = vector.broadcast %max3A_35 : f32 to vector<1000x128xf32>
    %max3A_37 = arith.maximumf %add3A_34, %max3A_36 : vector<1000x128xf32>
    %swap3A = arith.constant 0 : index
    %swap3A_38 = arith.constant 0 : index
    %swap3A_39 = vector.load %arg9[%swap3A, %swap3A_38] : memref<1000x128xf32, #tpu.memory_space<vmem>>, vector<1000x128xf32>
    tpu.vector_store %arg9[%swap3A, %swap3A_38], %max3A_37 {strides = array<i32>} : memref<1000x128xf32, #tpu.memory_space<vmem>>, vector<1000x128xf32>,
    return
  }
  func.func @transform_0(%arg0: i32) -> i32 {
    %c0_i32 = arith.constant 0 : i32
    %c0_i32_0 = arith.constant 0 : i32
    return %c0_i32 : i32
  }
  func.func @transform_1(%arg0: i32) -> (i32, i32) {
    %c0_i32 = arith.constant 0 : i32
    %c0_i32_0 = arith.constant 0 : i32
    return %arg0, %c0_i32 : i32, i32
  }
  func.func @transform_2(%arg0: i32) -> (i32, i32) {
    %c0_i32 = arith.constant 0 : i32
    %c0_i32_0 = arith.constant 0 : i32
    return %arg0, %c0_i32 : i32, i32
  }
  func.func @transform_3(%arg0: i32) -> (i32, i32) {
    %c0_i32 = arith.constant 0 : i32
    %c0_i32_0 = arith.constant 0 : i32
    return %arg0, %c0_i32 : i32, i32
  }
  func.func @transform_4(%arg0: i32) -> (i32, i32) {
    %c0_i32 = arith.constant 0 : i32
    %c0_i32_0 = arith.constant 0 : i32
    %c0_i32_1 = arith.constant 0 : i32
    return %c0_i32, %c0_i32_0 : i32, i32
  }
  func.func @transform_5(%arg0: i32) -> (i32, i32) {
    %c0_i32 = arith.constant 0 : i32
    %c0_i32_0 = arith.constant 0 : i32
    %c0_i32_1 = arith.constant 0 : i32
    return %c0_i32, %c0_i32_0 : i32, i32
  }
  func.func @transform_6(%arg0: i32) -> (i32, i32) {
    %c0_i32 = arith.constant 0 : i32
    %c0_i32_0 = arith.constant 0 : i32
    %c0_i32_1 = arith.constant 0 : i32
    return %c0_i32, %c0_i32_0 : i32, i32
  }
  func.func @transform_7(%arg0: i32) -> (i32, i32) {
    %c0_i32 = arith.constant 0 : i32
    %c0_i32_0 = arith.constant 0 : i32
    %c0_i32_1 = arith.constant 0 : i32
    return %c0_i32, %c0_i32_0 : i32, i32
  }
  func.func @transform_8(%arg0: i32) -> (i32, i32) {
    %c0_i32 = arith.constant 0 : i32
    %c0_i32_0 = arith.constant 0 : i32
    return %arg0, %c0_i32 : i32, i32
  }
}

module attributes {stable_mosaic.version = 14 : i64} {
  func.func @_mlp_pool_body(%arg0: i32, %arg1: memref<1xf32, #tpu.memory_space<smem>>, %arg2: memref<1x1x1000xi32, #tpu.memory_space<vmem>>, %arg3: memref<1000x128xf32, #tpu.memory_space<vmem>>, %arg4: memref<1000x128xf32, #tpu.memory_space<vmem>>, %arg5: memref<1000x128xf32, #tpu.memory_space<vmem>>, %arg6: memref<128x128xf32, #tpu.memory_space<vmem>>, %arg7: memref<1x128xf32, #tpu.memory_space<vmem>>, %arg8: memref<128x128xf32, #tpu.memory_space<vmem>>, %arg9: memref<1x128xf32, #tpu.memory_space<vmem>>, %arg10: memref<128x1xf32, #tpu.memory_space<vmem>>, %arg11: memref<1xf32, #tpu.memory_space<smem>>, %arg12: memref<64x1xf32, #tpu.memory_space<vmem>>, %arg13: memref<64x128xf32, #tpu.memory_space<vmem>>, %arg14: memref<64x128xf32, #tpu.memory_space<vmem>>) attributes {dimension_semantics = [#tpu.dimension_semantics<arbitrary>], iteration_bounds = array<i64: 10>, scalar_prefetch = 0 : i64, scratch_operands = 2 : i64, tpu.core_type = #tpu.core_type<tc>, window_params = [{transform_indices = @transform_0, window_bounds = array<i64: 1>}, {transform_indices = @transform_1, window_bounds = array<i64: 1, 1, 1000>}, {transform_indices = @transform_2, window_bounds = array<i64: 1000, 128>}, {transform_indices = @transform_3, window_bounds = array<i64: 1000, 128>}, {transform_indices = @transform_4, window_bounds = array<i64: 1000, 128>}, {pipeline_mode = #tpu.pipeline_mode<synchronous>, transform_indices = @transform_5, window_bounds = array<i64: 128, 128>}, {pipeline_mode = #tpu.pipeline_mode<synchronous>, transform_indices = @transform_6, window_bounds = array<i64: 1, 128>}, {pipeline_mode = #tpu.pipeline_mode<synchronous>, transform_indices = @transform_7, window_bounds = array<i64: 128, 128>}, {pipeline_mode = #tpu.pipeline_mode<synchronous>, transform_indices = @transform_8, window_bounds = array<i64: 1, 128>}, {pipeline_mode = #tpu.pipeline_mode<synchronous>, transform_indices = @transform_9, window_bounds = array<i64: 128, 1>}, {transform_indices = @transform_10, window_bounds = array<i64: 1>}, {pipeline_mode = #tpu.pipeline_mode<synchronous>, transform_indices = @transform_11, window_bounds = array<i64: 64, 1>}]} {
    %eq3A = arith.constant 0 : i32
    %eq3A_0 = arith.cmpi eq, %arg0, %eq3A : i32
    %convert_element_type3A = arith.extui %eq3A_0 : i1 to i32
    %cond3A = arith.constant 0 : i32
    %cond3A_1 = arith.cmpi ne, %convert_element_type3A, %cond3A : i32
    scf.if %cond3A_1 {
      %broadcast_in_dim3A_70 = arith.constant 0.000000e+00 : f32
      %broadcast_in_dim3A_71 = vector.broadcast %broadcast_in_dim3A_70 : f32 to vector<64x128xf32>
      %swap3A_72 = arith.constant 0 : index
      %swap3A_73 = arith.constant 0 : index
      %swap3A_74 = vector.load %arg13[%swap3A_72, %swap3A_73] : memref<64x128xf32, #tpu.memory_space<vmem>>, vector<64x128xf32>
      tpu.vector_store %arg13[%swap3A_72, %swap3A_73], %broadcast_in_dim3A_71 {strides = array<i32>} : memref<64x128xf32, #tpu.memory_space<vmem>>, vector<64x128xf32>,
      %broadcast_in_dim3A_75 = arith.constant 0.000000e+00 : f32
      %broadcast_in_dim3A_76 = vector.broadcast %broadcast_in_dim3A_75 : f32 to vector<64x128xf32>
      %swap3A_77 = arith.constant 0 : index
      %swap3A_78 = arith.constant 0 : index
      %swap3A_79 = vector.load %arg14[%swap3A_77, %swap3A_78] : memref<64x128xf32, #tpu.memory_space<vmem>>, vector<64x128xf32>
      tpu.vector_store %arg14[%swap3A_77, %swap3A_78], %broadcast_in_dim3A_76 {strides = array<i32>} : memref<64x128xf32, #tpu.memory_space<vmem>>, vector<64x128xf32>,
    } else {
    }
    %get3A = arith.constant 0 : index
    %get3A_2 = memref.load %arg1[%get3A] : memref<1xf32, #tpu.memory_space<smem>>
    %add3A = arith.constant 1.000000e+00 : f32
    %add3A_3 = arith.addf %add3A, %get3A_2 : f32
    %get3A_4 = arith.constant 0 : index
    %get3A_5 = arith.constant 0 : index
    %get3A_6 = vector.load %arg3[%get3A_4, %get3A_5] : memref<1000x128xf32, #tpu.memory_space<vmem>>, vector<1000x128xf32>
    %mul3A = vector.broadcast %add3A_3 : f32 to vector<1000x128xf32>
    %mul3A_7 = arith.mulf %mul3A, %get3A_6 : vector<1000x128xf32>
    %get3A_8 = arith.constant 0 : index
    %get3A_9 = arith.constant 0 : index
    %get3A_10 = vector.load %arg4[%get3A_8, %get3A_9] : memref<1000x128xf32, #tpu.memory_space<vmem>>, vector<1000x128xf32>
    %add3A_11 = arith.addf %mul3A_7, %get3A_10 : vector<1000x128xf32>
    %get3A_12 = arith.constant 0 : index
    %get3A_13 = arith.constant 0 : index
    %get3A_14 = vector.load %arg5[%get3A_12, %get3A_13] : memref<1000x128xf32, #tpu.memory_space<vmem>>, vector<1000x128xf32>
    %add3A_15 = arith.addf %add3A_11, %get3A_14 : vector<1000x128xf32>
    %get3A_16 = arith.constant 0 : index
    %get3A_17 = arith.constant 0 : index
    %get3A_18 = vector.load %arg6[%get3A_16, %get3A_17] : memref<128x128xf32, #tpu.memory_space<vmem>>, vector<128x128xf32>
    %dot_general3A = arith.constant dense<0.000000e+00> : vector<1000x128xf32>
    %dot_general3A_19 = tpu.matmul %add3A_15, %get3A_18, %dot_general3A {dimension_numbers = #tpu.dot_dimension_numbers<[1], [0], [0], [1], [0, 0, 1, 1], [], []>, transpose_lhs_hint = false} : vector<1000x128xf32>, vector<128x128xf32>, vector<1000x128xf32> -> vector<1000x128xf32>
    %get3A_20 = arith.constant 0 : index
    %get3A_21 = arith.constant 0 : index
    %get3A_22 = vector.load %arg7[%get3A_20, %get3A_21] : memref<1x128xf32, #tpu.memory_space<vmem>>, vector<1x128xf32>
    %add3A_23 = vector.broadcast %get3A_22 : vector<1x128xf32> to vector<1000x128xf32>
    %add3A_24 = arith.addf %dot_general3A_19, %add3A_23 : vector<1000x128xf32>
    %max3A = arith.constant 0.000000e+00 : f32
    %max3A_25 = vector.broadcast %max3A : f32 to vector<1000x128xf32>
    %max3A_26 = arith.maximumf %add3A_24, %max3A_25 : vector<1000x128xf32>
    %get3A_27 = arith.constant 0 : index
    %get3A_28 = arith.constant 0 : index
    %get3A_29 = vector.load %arg8[%get3A_27, %get3A_28] : memref<128x128xf32, #tpu.memory_space<vmem>>, vector<128x128xf32>
    %dot_general3A_30 = arith.constant dense<0.000000e+00> : vector<1000x128xf32>
    %dot_general3A_31 = tpu.matmul %max3A_26, %get3A_29, %dot_general3A_30 {dimension_numbers = #tpu.dot_dimension_numbers<[1], [0], [0], [1], [0, 0, 1, 1], [], []>, transpose_lhs_hint = false} : vector<1000x128xf32>, vector<128x128xf32>, vector<1000x128xf32> -> vector<1000x128xf32>
    %get3A_32 = arith.constant 0 : index
    %get3A_33 = arith.constant 0 : index
    %get3A_34 = vector.load %arg9[%get3A_32, %get3A_33] : memref<1x128xf32, #tpu.memory_space<vmem>>, vector<1x128xf32>
    %add3A_35 = vector.broadcast %get3A_34 : vector<1x128xf32> to vector<1000x128xf32>
    %add3A_36 = arith.addf %dot_general3A_31, %add3A_35 : vector<1000x128xf32>
    %get3A_37 = arith.constant 0 : index
    %get3A_38 = arith.constant 0 : index
    %get3A_39 = arith.constant 0 : index
    %get3A_40 = vector.load %arg2[%get3A_37, %get3A_38, %get3A_39] : memref<1x1x1000xi32, #tpu.memory_space<vmem>>, vector<1x1x1000xi32>
    %get3A_41 = vector.shape_cast %get3A_40 : vector<1x1x1000xi32> to vector<1000xi32>
    %iota3A = tpu.iota {dimensions = array<i32: 0>} : vector<64x1000xi32>
    %broadcast_in_dim3A = vector.shape_cast %get3A_41 : vector<1000xi32> to vector<1x1000xi32>
    %eq3A_42 = vector.broadcast %broadcast_in_dim3A : vector<1x1000xi32> to vector<64x1000xi32>
    %eq3A_43 = arith.cmpi eq, %iota3A, %eq3A_42 : vector<64x1000xi32>
    %convert_element_type3A_44 = arith.extui %eq3A_43 : vector<64x1000xi1> to vector<64x1000xi32>
    %convert_element_type3A_45 = arith.sitofp %convert_element_type3A_44 : vector<64x1000xi32> to vector<64x1000xf32>
    %get3A_46 = arith.constant 0 : index
    %get3A_47 = arith.constant 0 : index
    %get3A_48 = vector.load %arg13[%get3A_46, %get3A_47] : memref<64x128xf32, #tpu.memory_space<vmem>>, vector<64x128xf32>
    %dot_general3A_49 = arith.constant dense<0.000000e+00> : vector<64x128xf32>
    %dot_general3A_50 = tpu.matmul %convert_element_type3A_45, %add3A_36, %dot_general3A_49 {dimension_numbers = #tpu.dot_dimension_numbers<[1], [0], [0], [1], [0, 0, 1, 1], [], []>, transpose_lhs_hint = false} : vector<64x1000xf32>, vector<1000x128xf32>, vector<64x128xf32> -> vector<64x128xf32>
    %add3A_51 = arith.addf %get3A_48, %dot_general3A_50 : vector<64x128xf32>
    %swap3A = arith.constant 0 : index
    %swap3A_52 = arith.constant 0 : index
    %swap3A_53 = vector.load %arg13[%swap3A, %swap3A_52] : memref<64x128xf32, #tpu.memory_space<vmem>>, vector<64x128xf32>
    tpu.vector_store %arg13[%swap3A, %swap3A_52], %add3A_51 {strides = array<i32>} : memref<64x128xf32, #tpu.memory_space<vmem>>, vector<64x128xf32>,
    %get3A_54 = arith.constant 0 : index
    %get3A_55 = arith.constant 0 : index
    %get3A_56 = vector.load %arg14[%get3A_54, %get3A_55] : memref<64x128xf32, #tpu.memory_space<vmem>>, vector<64x128xf32>
    %reduce_sum3A = arith.constant dense<0.000000e+00> : vector<64xf32>
    %reduce_sum3A_57 = vector.multi_reduction <add>, %convert_element_type3A_45, %reduce_sum3A [1] : vector<64x1000xf32> to vector<64xf32>
    %broadcast_in_dim3A_58 = vector.shape_cast %reduce_sum3A_57 : vector<64xf32> to vector<64x1xf32>
    %broadcast_in_dim3A_59 = vector.shape_cast %broadcast_in_dim3A_58 : vector<64x1xf32> to vector<64x1xf32>
    %broadcast_in_dim3A_60 = vector.broadcast %broadcast_in_dim3A_59 : vector<64x1xf32> to vector<64x128xf32>
    %add3A_61 = arith.addf %get3A_56, %broadcast_in_dim3A_60 : vector<64x128xf32>
    %swap3A_62 = arith.constant 0 : index
    %swap3A_63 = arith.constant 0 : index
    %swap3A_64 = vector.load %arg14[%swap3A_62, %swap3A_63] : memref<64x128xf32, #tpu.memory_space<vmem>>, vector<64x128xf32>
    tpu.vector_store %arg14[%swap3A_62, %swap3A_63], %add3A_61 {strides = array<i32>} : memref<64x128xf32, #tpu.memory_space<vmem>>, vector<64x128xf32>,
    %eq3A_65 = arith.constant 9 : i32
    %eq3A_66 = arith.cmpi eq, %arg0, %eq3A_65 : i32
    %convert_element_type3A_67 = arith.extui %eq3A_66 : i1 to i32
    %cond3A_68 = arith.constant 0 : i32
    %cond3A_69 = arith.cmpi ne, %convert_element_type3A_67, %cond3A_68 : i32
    scf.if %cond3A_69 {
      %get3A_70 = arith.constant 0 : index
      %get3A_71 = arith.constant 0 : index
      %get3A_72 = vector.load %arg13[%get3A_70, %get3A_71] : memref<64x128xf32, #tpu.memory_space<vmem>>, vector<64x128xf32>
      %get3A_73 = arith.constant 0 : index
      %get3A_74 = arith.constant 0 : index
      %get3A_75 = vector.load %arg14[%get3A_73, %get3A_74] : memref<64x128xf32, #tpu.memory_space<vmem>>, vector<64x128xf32>
      %max3A_76 = arith.constant 1.000000e+00 : f32
      %max3A_77 = vector.broadcast %max3A_76 : f32 to vector<64x128xf32>
      %max3A_78 = arith.maximumf %get3A_75, %max3A_77 : vector<64x128xf32>
      %div3A = arith.divf %get3A_72, %max3A_78 : vector<64x128xf32>
      %get3A_79 = arith.constant 0 : index
      %get3A_80 = arith.constant 0 : index
      %get3A_81 = vector.load %arg10[%get3A_79, %get3A_80] : memref<128x1xf32, #tpu.memory_space<vmem>>, vector<128x1xf32>
      %dot_general3A_82 = arith.constant dense<0.000000e+00> : vector<64x1xf32>
      %dot_general3A_83 = tpu.matmul %div3A, %get3A_81, %dot_general3A_82 {dimension_numbers = #tpu.dot_dimension_numbers<[1], [0], [0], [1], [0, 0, 1, 1], [], []>, transpose_lhs_hint = false} : vector<64x128xf32>, vector<128x1xf32>, vector<64x1xf32> -> vector<64x1xf32>
      %get3A_84 = arith.constant 0 : index
      %get3A_85 = memref.load %arg11[%get3A_84] : memref<1xf32, #tpu.memory_space<smem>>
      %add3A_86 = vector.broadcast %get3A_85 : f32 to vector<64x1xf32>
      %add3A_87 = arith.addf %dot_general3A_83, %add3A_86 : vector<64x1xf32>
      %swap3A_88 = arith.constant 0 : index
      %swap3A_89 = arith.constant 0 : index
      %swap3A_90 = vector.load %arg12[%swap3A_88, %swap3A_89] : memref<64x1xf32, #tpu.memory_space<vmem>>, vector<64x1xf32>
      tpu.vector_store %arg12[%swap3A_88, %swap3A_89], %add3A_87 {strides = array<i32>} : memref<64x1xf32, #tpu.memory_space<vmem>>, vector<64x1xf32>,
    } else {
    }
    return
  }
  func.func @transform_0(%arg0: i32) -> i32 {
    %c0_i32 = arith.constant 0 : i32
    %c0_i32_0 = arith.constant 0 : i32
    return %c0_i32 : i32
  }
  func.func @transform_1(%arg0: i32) -> (i32, i32, i32) {
    %c0_i32 = arith.constant 0 : i32
    %c0_i32_0 = arith.constant 0 : i32
    %c0_i32_1 = arith.constant 0 : i32
    return %arg0, %c0_i32, %c0_i32_0 : i32, i32, i32
  }
  func.func @transform_2(%arg0: i32) -> (i32, i32) {
    %c0_i32 = arith.constant 0 : i32
    %c0_i32_0 = arith.constant 0 : i32
    return %arg0, %c0_i32 : i32, i32
  }
  func.func @transform_3(%arg0: i32) -> (i32, i32) {
    %c0_i32 = arith.constant 0 : i32
    %c0_i32_0 = arith.constant 0 : i32
    return %arg0, %c0_i32 : i32, i32
  }
  func.func @transform_4(%arg0: i32) -> (i32, i32) {
    %c0_i32 = arith.constant 0 : i32
    %c0_i32_0 = arith.constant 0 : i32
    return %arg0, %c0_i32 : i32, i32
  }
  func.func @transform_5(%arg0: i32) -> (i32, i32) {
    %c0_i32 = arith.constant 0 : i32
    %c0_i32_0 = arith.constant 0 : i32
    %c0_i32_1 = arith.constant 0 : i32
    return %c0_i32, %c0_i32_0 : i32, i32
  }
  func.func @transform_6(%arg0: i32) -> (i32, i32) {
    %c0_i32 = arith.constant 0 : i32
    %c0_i32_0 = arith.constant 0 : i32
    %c0_i32_1 = arith.constant 0 : i32
    return %c0_i32, %c0_i32_0 : i32, i32
  }
  func.func @transform_7(%arg0: i32) -> (i32, i32) {
    %c0_i32 = arith.constant 0 : i32
    %c0_i32_0 = arith.constant 0 : i32
    %c0_i32_1 = arith.constant 0 : i32
    return %c0_i32, %c0_i32_0 : i32, i32
  }
  func.func @transform_8(%arg0: i32) -> (i32, i32) {
    %c0_i32 = arith.constant 0 : i32
    %c0_i32_0 = arith.constant 0 : i32
    %c0_i32_1 = arith.constant 0 : i32
    return %c0_i32, %c0_i32_0 : i32, i32
  }
  func.func @transform_9(%arg0: i32) -> (i32, i32) {
    %c0_i32 = arith.constant 0 : i32
    %c0_i32_0 = arith.constant 0 : i32
    %c0_i32_1 = arith.constant 0 : i32
    return %c0_i32, %c0_i32_0 : i32, i32
  }
  func.func @transform_10(%arg0: i32) -> i32 {
    %c0_i32 = arith.constant 0 : i32
    %c0_i32_0 = arith.constant 0 : i32
    return %c0_i32 : i32
  }
  func.func @transform_11(%arg0: i32) -> (i32, i32) {
    %c0_i32 = arith.constant 0 : i32
    %c0_i32_0 = arith.constant 0 : i32
    %c0_i32_1 = arith.constant 0 : i32
    return %c0_i32, %c0_i32_0 : i32, i32
  }
}

</mosaic_0001>

<sc_bundles>
// kernel: kernel.11.cloned.1.call-start
scs
__scs_entry_jumppad:
0x0: {  	(pc) =	sbr.rel $0x88, $3  }
0x1: {  	(tag) =	ssettag $0x0;
	lr =	simm.s32 $0x1  }
0x2: {  	[smem:$0x3F8D] =	sst lr;
	_ =	strace $0xD0000000  }
0x3: {  	_ = 	snop  }
0x4: {  	_ = 	snop  }
0x5: {  	_ = 	snop  }
0x6: {  	_ = 	snop  }
0x7: {  	_ = 	snop  }
__scs_overlays_trampoline_lowered:
0x8: {  	[smem:$0x3F9C] =	sst s0  }
0x9: {  	[smem:$0x3F9D] =	sst s1  }
0xa: {  	[smem:$0x3F9E] =	sst s2  }
0xb: {  	[smem:$0x3F9F] =	sst s3  }
0xc: {  	[smem:$0x3FA0] =	sst s4  }
0xd: {  	[smem:$0x3FA1] =	sst s5  }
0xe: {  	[smem:$0x3FA2] =	sst s6  }
0xf: {  	[smem:$0x3FA3] =	sst s7  }
0x10: {  	[smem:$0x3FA4] =	sst s8  }
0x11: {  	[smem:$0x3FA5] =	sst s9;
	s0 =	simm.s32 @!p0 $0x0  }
0x12: {  	s1 =	sld [smem:$0x3F8B];
	s0 =	simm.s32 @p0 $0x1  }
0x13: {  	[smem:$0x3FA6] =	sst s0;
	s0 =	simm.s32 @!p1 $0x0  }
0x14: {  	s2 =	sld [smem:$0x3F8A];
	s0 =	simm.s32 @p1 $0x1  }
0x15: {  	[smem:$0x3FA7] =	sst s0;
	s0 =	simm.s32 @!p2 $0x0  }
0x16: {  	s3 =	sld [smem:$0x3FDB];
	s0 =	simm.s32 @p2 $0x1  }
0x17: {  	s4 =	simm.s32 $0x1BF5;
	[smem:$0x3FA9] =	sst s0  }
0x18: {  	s0 =	sld [smem:$0x3F8C];
	_ =	swait.ge [sflag:s4], $0x0  }
0x19: {  	s7 =	sld [smem:$0x3F8D]  }
0x1a: {  	s8 =	sadd.s32 $0xFFFFE003, lr  }
0x1b: {  	s9 =	sadd.s32 $0xFFFFFEF7, lr;
	s5 =	simm.s32 $0xFFFFFFFF;
	p2 =	slt.u32 s8, $0xFFFFF086  }
0x1c: {  	p1 =	slt.u32 s9, $0xF7A;
	s5 =	simm.s32 @!p2 $0x0  }
0x1d: {  	s5 =	simm.s32 @p1 $0x1;
	p0 =	seq.s32 s7, s2  }
0x1e: {  	s7 =	smul.u32 @!p0 $0xF7A, s2;
	p2 =	seq.s32 @!p0 s5, $0x0  }
0x1f: {  	s9 =	smul.u32 $0xF7A, s1;
	s8 =	simm.s32 @!p0 $0x1BF5;
	p2 =	por !p2, p0  }
0x20: {  	[sflag:s8] =	ssyncset.s32 @!p0 $0xFFFFF086;
	s6 =	sadd.s32 @!p0 s3, s7;
	s7 =	simm.s32 @!p0 $0x108  }
0x21: {  	s3 =	sadd.s32 s3, s9;
	s6 =	sadd.s32 @!p0 $0x88, s6;
	s7 =	simm.s32 @p2 $0x1082  }
0x22: {  	[simem:s7], [sflag:s8] =	dma.local @!p0 [hbm:s6], $0xF7A  }
0x23: {  	s9 =	sor.u32 $0xD0000000, s2;
	s6 =	simm.s32 $0x108;
	_ =	swait.ge @!p0 [sflag:s8], $0x0  }
0x24: {  	s3 =	sadd.s32 $0x88, s3;
	s6 =	simm.s32 @!p1 $0x1082;
	[sflag:s4] =	ssyncset.s32 $0xFFFFF086  }
0x25: {  	[simem:s6], [sflag:s4] =	dma.local [hbm:s3], $0xF7A  }
0x26: {  	[smem:$0x3F8D] =	sst s1;
	(tag) =	ssettag s2;
	_ =	strace s9  }
0x27: {  	s1 =	sld [smem:$0x3F9D]  }
0x28: {  	s2 =	sld [smem:$0x3F9E]  }
0x29: {  	s4 =	sld [smem:$0x3FA0]  }
0x2a: {  	p0 =	seq.s32 s5, $0x0;
	s5 =	sld [smem:$0x3FA1]  }
0x2b: {  	s6 =	sld [smem:$0x3FA2]  }
0x2c: {  	s7 =	sld [smem:$0x3FA3]  }
0x2d: {  	s3 =	simm.s32 $0x108;
	s8 =	sld [smem:$0x3FA4]  }
0x2e: {  	s3 =	simm.s32 @!p0 $0x1082;
	s9 =	sld [smem:$0x3FA5]  }
0x2f: {  	lr =	sadd.s32 s0, s3;
	s0 =	sld [smem:$0x3F9C]  }
0x30: {  	s3 =	sld [smem:$0x3F9F]  }
0x31: {  	[smem:$0x3FA8] =	sst s10  }
0x32: {  	s10 =	sld [smem:$0x3FA6];
	_ =	sdelay $0x3  }
0x33: {  	p0 =	seq.s32 s10, $0x1;
	s10 =	sld [smem:$0x3FA8];
	_ =	sdelay $0x3  }
0x34: {  	[smem:$0x3FA8] =	sst s10  }
0x35: {  	s10 =	sld [smem:$0x3FA7];
	_ =	sdelay $0x3  }
0x36: {  	p1 =	seq.s32 s10, $0x1;
	s10 =	sld [smem:$0x3FA8];
	_ =	sdelay $0x3  }
0x37: {  	[smem:$0x3FA8] =	sst s10  }
0x38: {  	s10 =	sld [smem:$0x3FA9]  }
0x39: {  	_ = 	snop;
	(pc) =	sbr.ind lr, $3  }
0x3a: {  	_ = 	snop  }
0x3b: {  	_ = 	snop  }
0x3c: {  	p2 =	seq.s32 s10, $0x1;
	s10 =	sld [smem:$0x3FA8]  }
0x3d: {  	_ =	shalt  }
0x3e: {  	_ =	shalt  }
0x3f: {  	_ =	shalt  }
0x40: {  	_ =	shalt  }
0x41: {  	_ =	shalt  }
0x42: {  	_ =	shalt  }
0x43: {  	_ =	shalt  }
0x44: {  	_ =	shalt  }
0x45: {  	_ =	shalt  }
0x46: {  	_ =	shalt  }
0x47: {  	_ =	shalt  }
0x48: {  	_ =	shalt  }
0x49: {  	_ =	shalt  }
0x4a: {  	_ =	shalt  }
0x4b: {  	_ =	shalt  }
0x4c: {  	_ =	shalt  }
0x4d: {  	_ =	shalt  }
0x4e: {  	_ =	shalt  }
0x4f: {  	_ =	shalt  }
0x50: {  	_ =	shalt  }
0x51: {  	_ =	shalt  }
0x52: {  	_ =	shalt  }
0x53: {  	_ =	shalt  }
0x54: {  	_ =	shalt  }
0x55: {  	_ =	shalt  }
0x56: {  	_ =	shalt  }
0x57: {  	_ =	shalt  }
0x58: {  	_ =	shalt  }
0x59: {  	_ =	shalt  }
0x5a: {  	_ =	shalt  }
0x5b: {  	_ =	shalt  }
0x5c: {  	_ =	shalt  }
0x5d: {  	_ =	shalt  }
0x5e: {  	_ =	shalt  }
0x5f: {  	_ =	shalt  }
0x60: {  	_ =	shalt  }
0x61: {  	_ =	shalt  }
0x62: {  	_ =	shalt  }
0x63: {  	_ =	shalt  }
0x64: {  	_ =	shalt  }
0x65: {  	_ =	shalt  }
0x66: {  	_ =	shalt  }
0x67: {  	_ =	shalt  }
0x68: {  	_ =	shalt  }
0x69: {  	_ =	shalt  }
0x6a: {  	_ =	shalt  }
0x6b: {  	_ =	shalt  }
0x6c: {  	_ =	shalt  }
0x6d: {  	_ =	shalt  }
0x6e: {  	_ =	shalt  }
0x6f: {  	_ =	shalt  }
0x70: {  	_ =	shalt  }
0x71: {  	_ =	shalt  }
0x72: {  	_ =	shalt  }
0x73: {  	_ =	shalt  }
0x74: {  	_ =	shalt  }
0x75: {  	_ =	shalt  }
0x76: {  	_ =	shalt  }
0x77: {  	_ =	shalt  }
0x78: {  	_ =	shalt  }
0x79: {  	_ =	shalt  }
0x7a: {  	_ =	shalt  }
0x7b: {  	_ =	shalt  }
0x7c: {  	_ =	shalt  }
0x7d: {  	_ =	shalt  }
0x7e: {  	_ =	shalt  }
0x7f: {  	_ =	shalt  }
0x80: {  	_ =	shalt  }
0x81: {  	_ =	shalt  }
0x82: {  	_ =	shalt  }
0x83: {  	_ =	shalt  }
0x84: {  	_ =	shalt  }
0x85: {  	_ =	shalt  }
0x86: {  	_ =	shalt  }
0x87: {  	_ =	shalt  }
.Lfunc_end0:
.L_simem_size_0:
called_computation.1_lowered:
.L_overlay_start_0:
0x88: {  	s2 =	sld [smem:$0x3FD9]  }
0x89: {  	s3 =	sld [smem:$0x3FFE];
	_ =	sdelay $0x1  }
0x8a: {  	s1 =	srdreg.scid  }
0x8b: {  	s0 =	sand.u32 $0x1, s1  }
0x8c: {  	s16 =	sshll.u32 s0, $0xA;
	s2 =	sadd.s32 s3, s2  }
0x8d: {  	s2 =	sadd.s32 s2, s16  }
0x8e: {  	[smem:$0x3FB4] =	sst s2  }
0x8f: {  	_ = 	snop  }
0x90: {  	(tm) =	ssettm $0x1  }
0x91: {  	s17 =	sld [smem:$0x3FFB];
	_ =	sdelay $0x3  }
0x92: {  	_ =	strace s17  }
0x93: {  	s2 =	sld [smem:$0x3FFC];
	_ =	sdelay $0x3  }
0x94: {  	_ =	strace s2  }
0x95: {  	s2 =	sld [smem:$0x3FFD];
	_ =	sdelay $0x3  }
0x96: {  	_ =	strace s2  }
0x97: {  	_ =	strace $0x8FFFFFFF  }
0x98: {  	s18 =	sld [smem:$0x3FDB];
	_ =	sdelay $0x1  }
0x99: {  	s19 =	simm.s32 $_scs_section_size  }
0x9a: {  	s4 =	simm.s32 $_size__tile_overlayer_lowered;
	s5 =	simm.s32 $_tile_overlayer_lowered  }
0x9b: {  	s22 =	simm.s32 $0x1BFF;
	s21 =	sshll.u32 s5, $0x1;
	s2 =	sadd.s32 s19, s18  }
0x9c: {  	s6 =	simm.s32 $0x0;
	s20 =	sshll.u32 s4, $0x1;
	s4 =	sadd.s32 s21, s2  }
0x9d: {  	[timem:s6], [sflag:s22] =	dma.local [hbm:s4], s20  }
0x9e: {  	_ =	swait.ge [sflag:s22], s20  }
0x9f: {  	s3 =	ssub.s32 $0x0, s20;
	[sflag:s22] =	ssyncset.done $0x0  }
0xa0: {  	[sflag:s22] =	ssyncadd.s32 s3;
	_ =	sdelay $0x1  }
0xa1: {  	s23 =	simm.s32 $0x1B8B  }
0xa2: {  	_ =	swait.ge [sflag:s23], $0x1  }
0xa3: {  	[sflag:s23] =	ssyncset.done $0x0  }
0xa4: {  	s25 =	simm.s32 $0x1B8E;
	s24 =	sld [smem:$0x3FFE];
	[sflag:s23] =	ssyncadd.s32 $0xFFFFFFFF  }
0xa5: {  	s26 =	simm.s32 $execute0_lowered;
	[smem:$0x3FD2] =	sst s25  }
0xa6: {  	s4 =	sshll.u32 s26, $0x1;
	_ =	strace $0x80000049;
	[dreg:$0x1] =	wrdreg $0xFFFFFFFF  }
0xa7: {  	s28 =	simm.s32 $_size_execute0_lowered;
	s2 =	sadd.s32 s2, s4;
	[dreg:$0x0] =	wrdreg $0x0  }
0xa8: {  	s4 =	sshll.u32 s28, $0x1;
	[dreg:$0x2] =	wrdreg s2  }
0xa9: {  	[dreg:$0x3] =	wrdreg s4  }
0xaa: {  	[dreg:$0x4] =	wrdreg $0xC0  }
0xab: {  	_ =	task [dreg:s6], $0x5FFFF  }
0xac: {  	[dreg:$0x1] =	wrdreg $0xFFFFFFFF  }
0xad: {  	[dreg:$0x0] =	wrdreg $0x60  }
0xae: {  	[dreg:$0x2] =	wrdreg s24  }
0xaf: {  	[dreg:$0x3] =	wrdreg $0x82000  }
0xb0: {  	[dreg:$0x4] =	wrdreg $0x9  }
0xb1: {  	_ =	task.clear_ibuf [dreg:s6], $0x5FFFF;
	_ =	strace $0x90000049  }
0xb2: {  	s29 =	simm.s32 $0x9;
	_ =	strace $0x8000004B  }
0xb3: {  	_ =	swait.ge [sflag:s29], $0x1  }
0xb4: {  	[sflag:s29] =	ssyncadd.s32 $0xFFFFFFFF  }
0xb5: {  	_ =	strace $0x9000004B  }
0xb6: {  	_ =	sfence  }
0xb7: {  	s30 =	sld [smem:$0x0];
	_ =	sdelay $0x2  }
0xb8: {  	s31 =	sshll.u32 s1, $0xD;
	s1 =	sshrl.u32 s1, $0x2  }
0xb9: {  	s3 =	sand.u32 $0x4000, s31;
	s1 =	sadd.s32 s1, s30  }
0xba: {  	s0 =	sor.u32 s3, s0;
	s1 =	sshll.u32 s1, $0x11  }
0xbb: {  	s0 =	sor.u32 s1, s0  }
0xbc: {  	s0 =	sadd.s32 $0x8F2B, s0  }
0xbd: {  	[sflag:s0] =	ssyncadd.remote.s32 $0x1  }
0xbe: {  	_ =	sfence.sel $0xFFFF  }
0xbf: {  	[dreg:$0x0] =	wrdreg $0xFFFFFFFF;
	(pc) =	sbr.abs _section_cstart, $3  }
0xc0: {  	[dreg:$0x1] =	wrdreg $0xFFFFFFFF  }
0xc1: {  	_ =	task.clear_ibuf [dreg:s6], $0x2FFFF;
	_ =	strace $0x9FFFFFFF  }
0xc2: {  	(tm) =	ssettm $0x7FFFFFFF  }
0xc3: {  	_ =	shalt  }
tec
execute0_lowered:
.L_overlay_start_1:
0x0: {  	(tag) =	ssettag $0x1  }
0x1: {  	s0 =	rddreg [dreg:$0x0]  }
0x2: {  	s1 =	rddreg [dreg:$0x1];
	s3 =	simm.s32 $0x0;
	s5 =	srdreg.scid  }
0x3: {  	s2 =	stileid.u32;
	s18 =	simm.s32 $0x5;
	s19 =	simm.s32 $0x100  }
0x4: {  	s20 =	simm.s32 $0x80;
	s21 =	simm.s32 $0x200;
	s22 =	simm.s32 $0x180  }
0x5: {  	s23 =	simm.s32 $0x4;
	s28 =	simm.s32 $0x2;
	s29 =	simm.s32 $0x0  }
0x6: {  	[smem:$0x7FF] =	sst s3;
	s4 =	sadd.s32 $0x1A400, s0;
	s9 =	smul.u32 $0x2780, s2  }
0x7: {  	s8 =	sand.u32 $0x1, s5;
	s5 =	sadd.s32 $0x3C00, s0;
	s12 =	smul.u32 $0xF00, s2  }
0x8: {  	s6 =	sadd.s32 $0xDC00, s0;
	s7 =	sadd.s32 $0x17C00, s0;
	s25 =	smul.u32 $0x4F000, s2  }
0x9: {  	s30 =	sshll.u32 s2, $0x6;
	_ =	strace $0x8000004A;
	s10 =	smul.u32 $0x27800, s8  }
0xa: {  	s11 =	ssub.s32 $0x2, s8;
	p0 =	seq.s32 s8, $0x0;
	s8 =	sshll.u32 s2, $0xE  }
0xb: {  	s24 =	sshrl.u32 s11, $0x1;
	s14 =	sor.u32 $0x40000, s12;
	s26 =	sshrl.u32 s25, $0x2  }
0xc: {  	s25 =	simm.s32 $0x1;
	s9 =	sadd.s32 s9, s10;
	s16 =	ssub.s32 s11, s24  }
0xd: {  	s14 =	smov.u32 @p0 s8;
	s17 =	sadd.s32 s26, s1;
	s8 =	sor.u32 $0x1C05, s30  }
0xe: {  	s11 =	simm.s32 $0x40;
	s24 =	simm.s32 $0x4200;
	s26 =	simm.s32 $0x3  }
0xf: {  	s0 =	sadd.s32 s9, s0;
	s31 =	sshrl.u32 s14, $0x3;
	s11 =	simm.s32 @!p0 $0xF  }
0x10: {  	s14 =	sadd.s32 $0x180, s14;
	s16 =	smax.u32 s16, $0x1;
	s17 =	sshrl.u32 s17, $0x3  }
0x11: {  	s9 =	sadd.s32 s5, s31;
	s10 =	sadd.s32 s6, s31;
	s13 =	sor.u32 $0x10, s31  }
0x12: {  	s15 =	sadd.s32 $0x41600, s0;
	s12 =	sadd.s32 s5, s13;
	s13 =	sadd.s32 s6, s13  }
.LBB2_1:
0x13: {  	[spmem:s17], [sflag:s8] =	dma.local [hbm:s7], $0x2780  }
0x14: {  	_ =	swait.ge [sflag:s18], $0x2780  }
0x15: {  	[sflag:s18] =	ssyncset.done $0x0  }
0x16: {  	[sflag:s18] =	ssyncadd.s32 $0xFFFFD880  }
0x17: {  	[bflag:$0x0] =	sbarrier.arrive $0xFFFF  }
0x18: {  	[tilespmem:s3], [sflag:$0x5] =	stream.linear.gather [hbm4b:s9+s3], $0x80, $0x38;
	[tilespmem:$0x1BE00] =	vst v63  }
0x19: {  	_ =	swait.ge [sflag:s18], $0x80  }
0x1a: {  	[sflag:s18] =	ssyncset.done $0x0  }
0x1b: {  	[sflag:s18] =	ssyncadd.s32 $0xFFFFFF80  }
0x1c: {  	[tilespmem:s19], [sflag:$0x5] =	stream.linear.gather [hbm4b:s10+s3], $0x80, $0x38;
	[tilespmem:$0x1BE00] =	vst v63  }
0x1d: {  	_ =	swait.ge [sflag:s18], $0x80  }
0x1e: {  	[sflag:s18] =	ssyncset.done $0x0  }
0x1f: {  	[sflag:s18] =	ssyncadd.s32 $0xFFFFFF80  }
0x20: {  	[tilespmem:s21], [sflag:$0x1] =	stream.indirect.gather [hbm4b:s4+s20], $0x80, s3, s20, $0xb8;
	[tilespmem:$0x1BE00] =	vst v63  }
0x21: {  	_ = 	snop  }
0x22: {  	[tilespmem:s20], [sflag:$0x4] =	stream.linear.gather [hbm4b:s12+s3], $0x80, $0x38;
	[tilespmem:$0x1BE00] =	vst v63  }
0x23: {  	_ = 	snop  }
0x24: {  	[tilespmem:s22], [sflag:$0x4] =	stream.linear.gather [hbm4b:s13+s3], $0x80, $0x38;
	[tilespmem:$0x1BE00] =	vst v63  }
0x25: {  	_ =	swait.ge [sflag:s23], $0x80  }
0x26: {  	[sflag:s23] =	ssyncset.done $0x0  }
0x27: {  	[sflag:s23] =	ssyncadd.s32 $0xFFFFFF80  }
0x28: {  	_ =	swait.ge [sflag:s23], $0x80  }
0x29: {  	[sflag:s23] =	ssyncset.done $0x0  }
0x2a: {  	[sflag:s23] =	ssyncadd.s32 $0xFFFFFF80  }
0x2b: {  	[tilespmem:s24], [sflag:$0x2] =	stream.indirect.gather [hbm4b:s4+s20], $0x80, s20, s20, $0xb8;
	[tilespmem:$0x1BE00] =	vst v63  }
0x2c: {  	_ =	swait.ge [sflag:s25], $0x4000  }
0x2d: {  	[sflag:s25] =	ssyncset.done $0x0  }
0x2e: {  	[sflag:s25] =	ssyncadd.s32 $0xFFFFC000  }
0x2f: {  	[spmem:s1] =	stream.indirect.scatter.add.f32 [tilespmem:s21], [sflag:$0x5], $0x80, s19, s20, $0xb8;
	[tilespmem:$0x1BE00] =	vst v63  }
0x30: {  	s0 =	sadd.s32 $0xFFFFFF80, s14;
	_ =	swait.ge [sflag:s18], $0x4000  }
0x31: {  	s0 =	sshrl.u32 s0, $0x3;
	[sflag:s18] =	ssyncset.done $0x0  }
0x32: {  	s30 =	sadd.s32 s5, s0;
	[sflag:s18] =	ssyncadd.s32 $0xFFFFC000  }
0x33: {  	[tilespmem:s3], [sflag:$0x3] =	stream.linear.gather [hbm4b:s30+s3], $0x80, $0x38;
	[tilespmem:$0x1BE00] =	vst v63  }
0x34: {  	s0 =	sadd.s32 s6, s0  }
0x35: {  	[tilespmem:s19], [sflag:$0x3] =	stream.linear.gather [hbm4b:s0+s3], $0x80, $0x38;
	[tilespmem:$0x1BE00] =	vst v63  }
0x36: {  	_ =	swait.ge [sflag:s26], $0x80  }
0x37: {  	[sflag:s26] =	ssyncset.done $0x0  }
0x38: {  	[sflag:s26] =	ssyncadd.s32 $0xFFFFFF80  }
0x39: {  	_ =	swait.ge [sflag:s26], $0x80  }
0x3a: {  	[sflag:s26] =	ssyncset.done $0x0  }
0x3b: {  	[sflag:s26] =	ssyncadd.s32 $0xFFFFFF80  }
0x3c: {  	[tilespmem:s21], [sflag:$0x1] =	stream.indirect.gather [hbm4b:s4+s20], $0x80, s3, s20, $0xb8;
	[tilespmem:$0x1BE00] =	vst v63  }
0x3d: {  	_ =	swait.ge [sflag:s28], $0x4000  }
0x3e: {  	[sflag:s28] =	ssyncset.done $0x0  }
0x3f: {  	p0 =	sne.s32 s11, $0x1;
	[sflag:s28] =	ssyncadd.s32 $0xFFFFC000  }
0x40: {  	[spmem:s1] =	stream.indirect.scatter.add.f32 [tilespmem:s24], [sflag:$0x5], $0x80, s22, s20, $0xb8;
	[tilespmem:$0x1BE00] =	vst v63  }
.Ltmp0:
0x41: {  	_ =	swait.ge [sflag:s18], $0x4000;
	(pc) =	sbr.rel @!p0 .LBB2_3-.Ltmp0, $4  }
0x42: {  	s2 =	sshrl.u32 s14, $0x3;
	[sflag:s18] =	ssyncset.done $0x0  }
0x43: {  	s30 =	sadd.s32 s5, s2;
	[sflag:s18] =	ssyncadd.s32 $0xFFFFC000  }
0x44: {  	[tilespmem:s20], [sflag:$0x4] =	stream.linear.gather [hbm4b:s30+s3], $0x80, $0x38;
	[tilespmem:$0x1BE00] =	vst v63  }
0x45: {  	s31 =	sadd.s32 $0x100, s14;
	s0 =	sadd.s32 s6, s2;
	s30 =	sadd.s32 $0xFFFFFFFF, s11  }
.LBB2_2:
0x46: {  	[tilespmem:s22], [sflag:$0x4] =	stream.linear.gather [hbm4b:s0+s3], $0x80, $0x38;
	[tilespmem:$0x1BE00] =	vst v63  }
0x47: {  	p0 =	sne.s32 s30, $0x1;
	s30 =	sadd.s32 $0xFFFFFFFF, s30;
	_ =	swait.ge [sflag:s23], $0x80  }
0x48: {  	[sflag:s23] =	ssyncset.done $0x0  }
0x49: {  	[sflag:s23] =	ssyncadd.s32 $0xFFFFFF80  }
0x4a: {  	_ =	swait.ge [sflag:s23], $0x80  }
0x4b: {  	[sflag:s23] =	ssyncset.done $0x0  }
0x4c: {  	[sflag:s23] =	ssyncadd.s32 $0xFFFFFF80  }
0x4d: {  	[tilespmem:s24], [sflag:$0x2] =	stream.indirect.gather [hbm4b:s4+s20], $0x80, s20, s20, $0xb8;
	[tilespmem:$0x1BE00] =	vst v63  }
0x4e: {  	_ =	swait.ge [sflag:s25], $0x4000  }
0x4f: {  	[sflag:s25] =	ssyncset.done $0x0  }
0x50: {  	[sflag:s25] =	ssyncadd.s32 $0xFFFFC000  }
0x51: {  	[spmem:s1] =	stream.indirect.scatter.add.f32 [tilespmem:s21], [sflag:$0x5], $0x80, s19, s20, $0xb8;
	[tilespmem:$0x1BE00] =	vst v63  }
0x52: {  	s0 =	sadd.s32 $0xFFFFFF80, s31;
	_ =	swait.ge [sflag:s18], $0x4000  }
0x53: {  	s0 =	sshrl.u32 s0, $0x3;
	[sflag:s18] =	ssyncset.done $0x0  }
0x54: {  	s2 =	sadd.s32 s5, s0;
	[sflag:s18] =	ssyncadd.s32 $0xFFFFC000  }
0x55: {  	[tilespmem:s3], [sflag:$0x3] =	stream.linear.gather [hbm4b:s2+s3], $0x80, $0x38;
	[tilespmem:$0x1BE00] =	vst v63  }
0x56: {  	s0 =	sadd.s32 s6, s0  }
0x57: {  	[tilespmem:s19], [sflag:$0x3] =	stream.linear.gather [hbm4b:s0+s3], $0x80, $0x38;
	[tilespmem:$0x1BE00] =	vst v63  }
0x58: {  	_ =	swait.ge [sflag:s26], $0x80  }
0x59: {  	[sflag:s26] =	ssyncset.done $0x0  }
0x5a: {  	[sflag:s26] =	ssyncadd.s32 $0xFFFFFF80  }
0x5b: {  	_ =	swait.ge [sflag:s26], $0x80  }
0x5c: {  	[sflag:s26] =	ssyncset.done $0x0  }
0x5d: {  	[sflag:s26] =	ssyncadd.s32 $0xFFFFFF80  }
0x5e: {  	[tilespmem:s21], [sflag:$0x1] =	stream.indirect.gather [hbm4b:s4+s20], $0x80, s3, s20, $0xb8;
	[tilespmem:$0x1BE00] =	vst v63  }
0x5f: {  	_ =	swait.ge [sflag:s28], $0x4000  }
0x60: {  	[sflag:s28] =	ssyncset.done $0x0  }
0x61: {  	[sflag:s28] =	ssyncadd.s32 $0xFFFFC000  }
0x62: {  	[spmem:s1] =	stream.indirect.scatter.add.f32 [tilespmem:s24], [sflag:$0x5], $0x80, s22, s20, $0xb8;
	[tilespmem:$0x1BE00] =	vst v63  }
.Ltmp1:
0x63: {  	_ =	swait.ge [sflag:s18], $0x4000;
	(pc) =	sbr.rel @p0 .LBB2_2-.Ltmp1, $4  }
0x64: {  	s0 =	sshrl.u32 s31, $0x3;
	[sflag:s18] =	ssyncset.done $0x0  }
0x65: {  	s2 =	sadd.s32 s5, s0;
	[sflag:s18] =	ssyncadd.s32 $0xFFFFC000  }
0x66: {  	[tilespmem:s20], [sflag:$0x4] =	stream.linear.gather [hbm4b:s2+s3], $0x80, $0x38;
	[tilespmem:$0x1BE00] =	vst v63  }
0x67: {  	s31 =	sadd.s32 $0x100, s31;
	s0 =	sadd.s32 s6, s0  }
.LBB2_3:
0x68: {  	[tilespmem:s22], [sflag:$0x4] =	stream.linear.gather [hbm4b:s0+s3], $0x80, $0x38;
	[tilespmem:$0x1BE00] =	vst v63  }
0x69: {  	_ =	swait.ge [sflag:s25], $0x4000  }
0x6a: {  	[sflag:s25] =	ssyncset.done $0x0  }
0x6b: {  	[sflag:s25] =	ssyncadd.s32 $0xFFFFC000  }
0x6c: {  	_ =	swait.ge [sflag:s23], $0x80  }
0x6d: {  	[sflag:s23] =	ssyncset.done $0x0  }
0x6e: {  	[sflag:s23] =	ssyncadd.s32 $0xFFFFFF80  }
0x6f: {  	_ =	swait.ge [sflag:s23], $0x80  }
0x70: {  	s29 =	sadd.s32 $0x1, s29;
	[sflag:s23] =	ssyncset.done $0x0  }
0x71: {  	p0 =	sne.s32 s29, s16;
	[sflag:s23] =	ssyncadd.s32 $0xFFFFFF80  }
.Ltmp2:
0x72: {  	[bflag:$0x0] =	sbarrier.arrive $0xFFFF;
	(pc) =	sbr.rel @p0 .LBB2_1-.Ltmp2, $4  }
0x73: {  	[hbm:s15], [sflag:s8] =	dma.local [spmem:s17], $0x2780  }
0x74: {  	_ =	swait.ge [sflag:s18], $0x2780  }
0x75: {  	[sflag:s18] =	ssyncset.done $0x0  }
0x76: {  	[sflag:s18] =	ssyncadd.s32 $0xFFFFD880  }
0x77: {  	_ =	sfence.sel $0x180000  }
0x78: {  	[bflag:$0x0] =	sbarrier.arrive $0xFFFF  }
0x79: {  	_ =	strace $0x9000004A  }
0x7a: {  	s0 =	stileid.u32;
	[bflag:$0x2] =	sbarrier.arrive $0xFFFF  }
0x7b: {  	p0 =	sne.s32 s0, $0x0;
	s0 =	rddreg [dreg:$0x2]  }
0x7c: {  	s0 =	sadd.s32 @!p0 $0x100000, s0  }
0x7d: {  	[sflag:s0] =	ssyncadd.tile.s32 @!p0 $0x1;
	_ =	shalt  }
.Lfunc_end2:
_tile_overlayer_lowered:
.L_overlay_start_2:
0x7e: {  	(tag) =	ssettag $0x2  }
0x7f: {  	s0 =	rddreg [dreg:$0x0];
	s2 =	stileid.u32  }
0x80: {  	s1 =	rddreg [dreg:$0x1];
	p0 =	sne.s32 s2, $0x0  }
0x81: {  	s3 =	rddreg [dreg:$0x2];
	[bflag:$0x3] =	sbarrier.arrive $0xFFFF;
	s2 =	simm.s32 @!p0 $0x1C05  }
0x82: {  	[timem:s3], [sflag:s2] =	dma.local @!p0 [hbm:s0], s1  }
0x83: {  	s0 =	simm.s32 @!p0 $0x5  }
0x84: {  	_ =	swait.ge @!p0 [sflag:s0], s1  }
0x85: {  	s1 =	ssub.s32 @!p0 $0x0, s1;
	[sflag:s0] =	ssyncset.done @!p0 $0x0  }
0x86: {  	[sflag:s0] =	ssyncadd.s32 @!p0 s1  }
0x87: {  	[bflag:$0x3] =	sbarrier.arrive $0xFFFF  }
0x88: {  	_ =	shalt  }

// kernel: kernel.14.cloned.1.call-start
scs
__scs_entry_jumppad:
0x0: {  	(pc) =	sbr.rel $0x88, $3  }
0x1: {  	(tag) =	ssettag $0x0;
	lr =	simm.s32 $0x1  }
0x2: {  	[smem:$0x3F8D] =	sst lr;
	_ =	strace $0xD0000000  }
0x3: {  	_ = 	snop  }
0x4: {  	_ = 	snop  }
0x5: {  	_ = 	snop  }
0x6: {  	_ = 	snop  }
0x7: {  	_ = 	snop  }
__scs_overlays_trampoline_lowered:
0x8: {  	[smem:$0x3F9C] =	sst s0  }
0x9: {  	[smem:$0x3F9D] =	sst s1  }
0xa: {  	[smem:$0x3F9E] =	sst s2  }
0xb: {  	[smem:$0x3F9F] =	sst s3  }
0xc: {  	[smem:$0x3FA0] =	sst s4  }
0xd: {  	[smem:$0x3FA1] =	sst s5  }
0xe: {  	[smem:$0x3FA2] =	sst s6  }
0xf: {  	[smem:$0x3FA3] =	sst s7  }
0x10: {  	[smem:$0x3FA4] =	sst s8  }
0x11: {  	[smem:$0x3FA5] =	sst s9;
	s0 =	simm.s32 @!p0 $0x0  }
0x12: {  	s1 =	sld [smem:$0x3F8B];
	s0 =	simm.s32 @p0 $0x1  }
0x13: {  	[smem:$0x3FA6] =	sst s0;
	s0 =	simm.s32 @!p1 $0x0  }
0x14: {  	s2 =	sld [smem:$0x3F8A];
	s0 =	simm.s32 @p1 $0x1  }
0x15: {  	[smem:$0x3FA7] =	sst s0;
	s0 =	simm.s32 @!p2 $0x0  }
0x16: {  	s3 =	sld [smem:$0x3FDB];
	s0 =	simm.s32 @p2 $0x1  }
0x17: {  	s4 =	simm.s32 $0x1BF5;
	[smem:$0x3FA9] =	sst s0  }
0x18: {  	s0 =	sld [smem:$0x3F8C];
	_ =	swait.ge [sflag:s4], $0x0  }
0x19: {  	s7 =	sld [smem:$0x3F8D]  }
0x1a: {  	s8 =	sadd.s32 $0xFFFFE003, lr  }
0x1b: {  	s9 =	sadd.s32 $0xFFFFFEF7, lr;
	s5 =	simm.s32 $0xFFFFFFFF;
	p2 =	slt.u32 s8, $0xFFFFF086  }
0x1c: {  	p1 =	slt.u32 s9, $0xF7A;
	s5 =	simm.s32 @!p2 $0x0  }
0x1d: {  	s5 =	simm.s32 @p1 $0x1;
	p0 =	seq.s32 s7, s2  }
0x1e: {  	s7 =	smul.u32 @!p0 $0xF7A, s2;
	p2 =	seq.s32 @!p0 s5, $0x0  }
0x1f: {  	s9 =	smul.u32 $0xF7A, s1;
	s8 =	simm.s32 @!p0 $0x1BF5;
	p2 =	por !p2, p0  }
0x20: {  	[sflag:s8] =	ssyncset.s32 @!p0 $0xFFFFF086;
	s6 =	sadd.s32 @!p0 s3, s7;
	s7 =	simm.s32 @!p0 $0x108  }
0x21: {  	s3 =	sadd.s32 s3, s9;
	s6 =	sadd.s32 @!p0 $0x88, s6;
	s7 =	simm.s32 @p2 $0x1082  }
0x22: {  	[simem:s7], [sflag:s8] =	dma.local @!p0 [hbm:s6], $0xF7A  }
0x23: {  	s9 =	sor.u32 $0xD0000000, s2;
	s6 =	simm.s32 $0x108;
	_ =	swait.ge @!p0 [sflag:s8], $0x0  }
0x24: {  	s3 =	sadd.s32 $0x88, s3;
	s6 =	simm.s32 @!p1 $0x1082;
	[sflag:s4] =	ssyncset.s32 $0xFFFFF086  }
0x25: {  	[simem:s6], [sflag:s4] =	dma.local [hbm:s3], $0xF7A  }
0x26: {  	[smem:$0x3F8D] =	sst s1;
	(tag) =	ssettag s2;
	_ =	strace s9  }
0x27: {  	s1 =	sld [smem:$0x3F9D]  }
0x28: {  	s2 =	sld [smem:$0x3F9E]  }
0x29: {  	s4 =	sld [smem:$0x3FA0]  }
0x2a: {  	p0 =	seq.s32 s5, $0x0;
	s5 =	sld [smem:$0x3FA1]  }
0x2b: {  	s6 =	sld [smem:$0x3FA2]  }
0x2c: {  	s7 =	sld [smem:$0x3FA3]  }
0x2d: {  	s3 =	simm.s32 $0x108;
	s8 =	sld [smem:$0x3FA4]  }
0x2e: {  	s3 =	simm.s32 @!p0 $0x1082;
	s9 =	sld [smem:$0x3FA5]  }
0x2f: {  	lr =	sadd.s32 s0, s3;
	s0 =	sld [smem:$0x3F9C]  }
0x30: {  	s3 =	sld [smem:$0x3F9F]  }
0x31: {  	[smem:$0x3FA8] =	sst s10  }
0x32: {  	s10 =	sld [smem:$0x3FA6];
	_ =	sdelay $0x3  }
0x33: {  	p0 =	seq.s32 s10, $0x1;
	s10 =	sld [smem:$0x3FA8];
	_ =	sdelay $0x3  }
0x34: {  	[smem:$0x3FA8] =	sst s10  }
0x35: {  	s10 =	sld [smem:$0x3FA7];
	_ =	sdelay $0x3  }
0x36: {  	p1 =	seq.s32 s10, $0x1;
	s10 =	sld [smem:$0x3FA8];
	_ =	sdelay $0x3  }
0x37: {  	[smem:$0x3FA8] =	sst s10  }
0x38: {  	s10 =	sld [smem:$0x3FA9]  }
0x39: {  	_ = 	snop;
	(pc) =	sbr.ind lr, $3  }
0x3a: {  	_ = 	snop  }
0x3b: {  	_ = 	snop  }
0x3c: {  	p2 =	seq.s32 s10, $0x1;
	s10 =	sld [smem:$0x3FA8]  }
0x3d: {  	_ =	shalt  }
0x3e: {  	_ =	shalt  }
0x3f: {  	_ =	shalt  }
0x40: {  	_ =	shalt  }
0x41: {  	_ =	shalt  }
0x42: {  	_ =	shalt  }
0x43: {  	_ =	shalt  }
0x44: {  	_ =	shalt  }
0x45: {  	_ =	shalt  }
0x46: {  	_ =	shalt  }
0x47: {  	_ =	shalt  }
0x48: {  	_ =	shalt  }
0x49: {  	_ =	shalt  }
0x4a: {  	_ =	shalt  }
0x4b: {  	_ =	shalt  }
0x4c: {  	_ =	shalt  }
0x4d: {  	_ =	shalt  }
0x4e: {  	_ =	shalt  }
0x4f: {  	_ =	shalt  }
0x50: {  	_ =	shalt  }
0x51: {  	_ =	shalt  }
0x52: {  	_ =	shalt  }
0x53: {  	_ =	shalt  }
0x54: {  	_ =	shalt  }
0x55: {  	_ =	shalt  }
0x56: {  	_ =	shalt  }
0x57: {  	_ =	shalt  }
0x58: {  	_ =	shalt  }
0x59: {  	_ =	shalt  }
0x5a: {  	_ =	shalt  }
0x5b: {  	_ =	shalt  }
0x5c: {  	_ =	shalt  }
0x5d: {  	_ =	shalt  }
0x5e: {  	_ =	shalt  }
0x5f: {  	_ =	shalt  }
0x60: {  	_ =	shalt  }
0x61: {  	_ =	shalt  }
0x62: {  	_ =	shalt  }
0x63: {  	_ =	shalt  }
0x64: {  	_ =	shalt  }
0x65: {  	_ =	shalt  }
0x66: {  	_ =	shalt  }
0x67: {  	_ =	shalt  }
0x68: {  	_ =	shalt  }
0x69: {  	_ =	shalt  }
0x6a: {  	_ =	shalt  }
0x6b: {  	_ =	shalt  }
0x6c: {  	_ =	shalt  }
0x6d: {  	_ =	shalt  }
0x6e: {  	_ =	shalt  }
0x6f: {  	_ =	shalt  }
0x70: {  	_ =	shalt  }
0x71: {  	_ =	shalt  }
0x72: {  	_ =	shalt  }
0x73: {  	_ =	shalt  }
0x74: {  	_ =	shalt  }
0x75: {  	_ =	shalt  }
0x76: {  	_ =	shalt  }
0x77: {  	_ =	shalt  }
0x78: {  	_ =	shalt  }
0x79: {  	_ =	shalt  }
0x7a: {  	_ =	shalt  }
0x7b: {  	_ =	shalt  }
0x7c: {  	_ =	shalt  }
0x7d: {  	_ =	shalt  }
0x7e: {  	_ =	shalt  }
0x7f: {  	_ =	shalt  }
0x80: {  	_ =	shalt  }
0x81: {  	_ =	shalt  }
0x82: {  	_ =	shalt  }
0x83: {  	_ =	shalt  }
0x84: {  	_ =	shalt  }
0x85: {  	_ =	shalt  }
0x86: {  	_ =	shalt  }
0x87: {  	_ =	shalt  }
.Lfunc_end0:
.L_simem_size_0:
called_computation.2_lowered:
.L_overlay_start_0:
0x88: {  	s2 =	sld [smem:$0x3FD9]  }
0x89: {  	s3 =	sld [smem:$0x3FFE];
	_ =	sdelay $0x1  }
0x8a: {  	s1 =	srdreg.scid  }
0x8b: {  	s0 =	sand.u32 $0x1, s1  }
0x8c: {  	s16 =	sshll.u32 s0, $0xA;
	s2 =	sadd.s32 s3, s2  }
0x8d: {  	s2 =	sadd.s32 s2, s16  }
0x8e: {  	[smem:$0x3FB4] =	sst s2  }
0x8f: {  	_ = 	snop  }
0x90: {  	(tm) =	ssettm $0x1  }
0x91: {  	s17 =	sld [smem:$0x3FFB];
	_ =	sdelay $0x3  }
0x92: {  	_ =	strace s17  }
0x93: {  	s2 =	sld [smem:$0x3FFC];
	_ =	sdelay $0x3  }
0x94: {  	_ =	strace s2  }
0x95: {  	s2 =	sld [smem:$0x3FFD];
	_ =	sdelay $0x3  }
0x96: {  	_ =	strace s2  }
0x97: {  	_ =	strace $0x8FFFFFFF  }
0x98: {  	s18 =	sld [smem:$0x3FDB];
	_ =	sdelay $0x1  }
0x99: {  	s19 =	simm.s32 $_scs_section_size  }
0x9a: {  	s4 =	simm.s32 $_size__tile_overlayer_lowered;
	s5 =	simm.s32 $_tile_overlayer_lowered  }
0x9b: {  	s22 =	simm.s32 $0x1BFF;
	s21 =	sshll.u32 s5, $0x1;
	s2 =	sadd.s32 s19, s18  }
0x9c: {  	s6 =	simm.s32 $0x0;
	s20 =	sshll.u32 s4, $0x1;
	s4 =	sadd.s32 s21, s2  }
0x9d: {  	[timem:s6], [sflag:s22] =	dma.local [hbm:s4], s20  }
0x9e: {  	_ =	swait.ge [sflag:s22], s20  }
0x9f: {  	s3 =	ssub.s32 $0x0, s20;
	[sflag:s22] =	ssyncset.done $0x0  }
0xa0: {  	[sflag:s22] =	ssyncadd.s32 s3;
	_ =	sdelay $0x1  }
0xa1: {  	s23 =	simm.s32 $0x1B8B  }
0xa2: {  	_ =	swait.ge [sflag:s23], $0x1  }
0xa3: {  	[sflag:s23] =	ssyncset.done $0x0  }
0xa4: {  	s25 =	simm.s32 $0x1B8E;
	s24 =	sld [smem:$0x3FFE];
	[sflag:s23] =	ssyncadd.s32 $0xFFFFFFFF  }
0xa5: {  	s26 =	simm.s32 $execute0_lowered;
	[smem:$0x3FD2] =	sst s25  }
0xa6: {  	s4 =	sshll.u32 s26, $0x1;
	_ =	strace $0x8000004C;
	[dreg:$0x1] =	wrdreg $0xFFFFFFFF  }
0xa7: {  	s28 =	simm.s32 $_size_execute0_lowered;
	s2 =	sadd.s32 s2, s4;
	[dreg:$0x0] =	wrdreg $0x0  }
0xa8: {  	s4 =	sshll.u32 s28, $0x1;
	[dreg:$0x2] =	wrdreg s2  }
0xa9: {  	[dreg:$0x3] =	wrdreg s4  }
0xaa: {  	[dreg:$0x4] =	wrdreg $0xC0  }
0xab: {  	_ =	task [dreg:s6], $0x5FFFF  }
0xac: {  	[dreg:$0x1] =	wrdreg $0xFFFFFFFF  }
0xad: {  	[dreg:$0x0] =	wrdreg $0x60  }
0xae: {  	[dreg:$0x2] =	wrdreg s24  }
0xaf: {  	[dreg:$0x3] =	wrdreg $0x82000  }
0xb0: {  	[dreg:$0x4] =	wrdreg $0x9  }
0xb1: {  	_ =	task.clear_ibuf [dreg:s6], $0x5FFFF;
	_ =	strace $0x9000004C  }
0xb2: {  	s29 =	simm.s32 $0x9;
	_ =	strace $0x8000004E  }
0xb3: {  	_ =	swait.ge [sflag:s29], $0x1  }
0xb4: {  	[sflag:s29] =	ssyncadd.s32 $0xFFFFFFFF  }
0xb5: {  	_ =	strace $0x9000004E  }
0xb6: {  	_ =	sfence  }
0xb7: {  	s30 =	sld [smem:$0x0];
	_ =	sdelay $0x2  }
0xb8: {  	s31 =	sshll.u32 s1, $0xD;
	s1 =	sshrl.u32 s1, $0x2  }
0xb9: {  	s3 =	sand.u32 $0x4000, s31;
	s1 =	sadd.s32 s1, s30  }
0xba: {  	s0 =	sor.u32 s3, s0;
	s1 =	sshll.u32 s1, $0x11  }
0xbb: {  	s0 =	sor.u32 s1, s0  }
0xbc: {  	s0 =	sadd.s32 $0x8F2B, s0  }
0xbd: {  	[sflag:s0] =	ssyncadd.remote.s32 $0x1  }
0xbe: {  	_ =	sfence.sel $0xFFFF  }
0xbf: {  	[dreg:$0x0] =	wrdreg $0xFFFFFFFF;
	(pc) =	sbr.abs _section_cstart, $3  }
0xc0: {  	[dreg:$0x1] =	wrdreg $0xFFFFFFFF  }
0xc1: {  	_ =	task.clear_ibuf [dreg:s6], $0x2FFFF;
	_ =	strace $0x9FFFFFFF  }
0xc2: {  	(tm) =	ssettm $0x7FFFFFFF  }
0xc3: {  	_ =	shalt  }
tec
execute0_lowered:
.L_overlay_start_1:
0x0: {  	(tag) =	ssettag $0x1  }
0x1: {  	s0 =	rddreg [dreg:$0x0]  }
0x2: {  	s1 =	rddreg [dreg:$0x1];
	s3 =	simm.s32 $0x0;
	s5 =	srdreg.scid  }
0x3: {  	s2 =	stileid.u32;
	s18 =	simm.s32 $0x5;
	s19 =	simm.s32 $0x100  }
0x4: {  	s20 =	simm.s32 $0x80;
	s21 =	simm.s32 $0x200;
	s22 =	simm.s32 $0x180  }
0x5: {  	s23 =	simm.s32 $0x4;
	s28 =	simm.s32 $0x2;
	s29 =	simm.s32 $0x0  }
0x6: {  	[smem:$0x7FF] =	sst s3;
	s4 =	sadd.s32 $0x1A400, s0;
	s9 =	smul.u32 $0x2780, s2  }
0x7: {  	s8 =	sand.u32 $0x1, s5;
	s5 =	sadd.s32 $0x3C00, s0;
	s12 =	smul.u32 $0xF00, s2  }
0x8: {  	s6 =	sadd.s32 $0xDC00, s0;
	s7 =	sadd.s32 $0x17C00, s0;
	s25 =	smul.u32 $0x4F000, s2  }
0x9: {  	s30 =	sshll.u32 s2, $0x6;
	_ =	strace $0x8000004D;
	s10 =	smul.u32 $0x27800, s8  }
0xa: {  	s11 =	ssub.s32 $0x2, s8;
	p0 =	seq.s32 s8, $0x0;
	s8 =	sshll.u32 s2, $0xE  }
0xb: {  	s24 =	sshrl.u32 s11, $0x1;
	s14 =	sor.u32 $0x40000, s12;
	s26 =	sshrl.u32 s25, $0x2  }
0xc: {  	s25 =	simm.s32 $0x1;
	s9 =	sadd.s32 s9, s10;
	s16 =	ssub.s32 s11, s24  }
0xd: {  	s14 =	smov.u32 @p0 s8;
	s17 =	sadd.s32 s26, s1;
	s8 =	sor.u32 $0x1C05, s30  }
0xe: {  	s11 =	simm.s32 $0x40;
	s24 =	simm.s32 $0x4200;
	s26 =	simm.s32 $0x3  }
0xf: {  	s0 =	sadd.s32 s9, s0;
	s31 =	sshrl.u32 s14, $0x3;
	s11 =	simm.s32 @!p0 $0xF  }
0x10: {  	s14 =	sadd.s32 $0x180, s14;
	s16 =	smax.u32 s16, $0x1;
	s17 =	sshrl.u32 s17, $0x3  }
0x11: {  	s9 =	sadd.s32 s5, s31;
	s10 =	sadd.s32 s6, s31;
	s13 =	sor.u32 $0x10, s31  }
0x12: {  	s15 =	sadd.s32 $0x41600, s0;
	s12 =	sadd.s32 s5, s13;
	s13 =	sadd.s32 s6, s13  }
.LBB2_1:
0x13: {  	[spmem:s17], [sflag:s8] =	dma.local [hbm:s7], $0x2780  }
0x14: {  	_ =	swait.ge [sflag:s18], $0x2780  }
0x15: {  	[sflag:s18] =	ssyncset.done $0x0  }
0x16: {  	[sflag:s18] =	ssyncadd.s32 $0xFFFFD880  }
0x17: {  	[bflag:$0x0] =	sbarrier.arrive $0xFFFF  }
0x18: {  	[tilespmem:s3], [sflag:$0x5] =	stream.linear.gather [hbm4b:s9+s3], $0x80, $0x38;
	[tilespmem:$0x1BE00] =	vst v63  }
0x19: {  	_ =	swait.ge [sflag:s18], $0x80  }
0x1a: {  	[sflag:s18] =	ssyncset.done $0x0  }
0x1b: {  	[sflag:s18] =	ssyncadd.s32 $0xFFFFFF80  }
0x1c: {  	[tilespmem:s19], [sflag:$0x5] =	stream.linear.gather [hbm4b:s10+s3], $0x80, $0x38;
	[tilespmem:$0x1BE00] =	vst v63  }
0x1d: {  	_ =	swait.ge [sflag:s18], $0x80  }
0x1e: {  	[sflag:s18] =	ssyncset.done $0x0  }
0x1f: {  	[sflag:s18] =	ssyncadd.s32 $0xFFFFFF80  }
0x20: {  	[tilespmem:s21], [sflag:$0x1] =	stream.indirect.gather [hbm4b:s4+s20], $0x80, s3, s20, $0xb8;
	[tilespmem:$0x1BE00] =	vst v63  }
0x21: {  	_ = 	snop  }
0x22: {  	[tilespmem:s20], [sflag:$0x4] =	stream.linear.gather [hbm4b:s12+s3], $0x80, $0x38;
	[tilespmem:$0x1BE00] =	vst v63  }
0x23: {  	_ = 	snop  }
0x24: {  	[tilespmem:s22], [sflag:$0x4] =	stream.linear.gather [hbm4b:s13+s3], $0x80, $0x38;
	[tilespmem:$0x1BE00] =	vst v63  }
0x25: {  	_ =	swait.ge [sflag:s23], $0x80  }
0x26: {  	[sflag:s23] =	ssyncset.done $0x0  }
0x27: {  	[sflag:s23] =	ssyncadd.s32 $0xFFFFFF80  }
0x28: {  	_ =	swait.ge [sflag:s23], $0x80  }
0x29: {  	[sflag:s23] =	ssyncset.done $0x0  }
0x2a: {  	[sflag:s23] =	ssyncadd.s32 $0xFFFFFF80  }
0x2b: {  	[tilespmem:s24], [sflag:$0x2] =	stream.indirect.gather [hbm4b:s4+s20], $0x80, s20, s20, $0xb8;
	[tilespmem:$0x1BE00] =	vst v63  }
0x2c: {  	_ =	swait.ge [sflag:s25], $0x4000  }
0x2d: {  	[sflag:s25] =	ssyncset.done $0x0  }
0x2e: {  	[sflag:s25] =	ssyncadd.s32 $0xFFFFC000  }
0x2f: {  	[spmem:s1] =	stream.indirect.scatter.add.f32 [tilespmem:s21], [sflag:$0x5], $0x80, s19, s20, $0xb8;
	[tilespmem:$0x1BE00] =	vst v63  }
0x30: {  	s0 =	sadd.s32 $0xFFFFFF80, s14;
	_ =	swait.ge [sflag:s18], $0x4000  }
0x31: {  	s0 =	sshrl.u32 s0, $0x3;
	[sflag:s18] =	ssyncset.done $0x0  }
0x32: {  	s30 =	sadd.s32 s5, s0;
	[sflag:s18] =	ssyncadd.s32 $0xFFFFC000  }
0x33: {  	[tilespmem:s3], [sflag:$0x3] =	stream.linear.gather [hbm4b:s30+s3], $0x80, $0x38;
	[tilespmem:$0x1BE00] =	vst v63  }
0x34: {  	s0 =	sadd.s32 s6, s0  }
0x35: {  	[tilespmem:s19], [sflag:$0x3] =	stream.linear.gather [hbm4b:s0+s3], $0x80, $0x38;
	[tilespmem:$0x1BE00] =	vst v63  }
0x36: {  	_ =	swait.ge [sflag:s26], $0x80  }
0x37: {  	[sflag:s26] =	ssyncset.done $0x0  }
0x38: {  	[sflag:s26] =	ssyncadd.s32 $0xFFFFFF80  }
0x39: {  	_ =	swait.ge [sflag:s26], $0x80  }
0x3a: {  	[sflag:s26] =	ssyncset.done $0x0  }
0x3b: {  	[sflag:s26] =	ssyncadd.s32 $0xFFFFFF80  }
0x3c: {  	[tilespmem:s21], [sflag:$0x1] =	stream.indirect.gather [hbm4b:s4+s20], $0x80, s3, s20, $0xb8;
	[tilespmem:$0x1BE00] =	vst v63  }
0x3d: {  	_ =	swait.ge [sflag:s28], $0x4000  }
0x3e: {  	[sflag:s28] =	ssyncset.done $0x0  }
0x3f: {  	p0 =	sne.s32 s11, $0x1;
	[sflag:s28] =	ssyncadd.s32 $0xFFFFC000  }
0x40: {  	[spmem:s1] =	stream.indirect.scatter.add.f32 [tilespmem:s24], [sflag:$0x5], $0x80, s22, s20, $0xb8;
	[tilespmem:$0x1BE00] =	vst v63  }
.Ltmp0:
0x41: {  	_ =	swait.ge [sflag:s18], $0x4000;
	(pc) =	sbr.rel @!p0 .LBB2_3-.Ltmp0, $4  }
0x42: {  	s2 =	sshrl.u32 s14, $0x3;
	[sflag:s18] =	ssyncset.done $0x0  }
0x43: {  	s30 =	sadd.s32 s5, s2;
	[sflag:s18] =	ssyncadd.s32 $0xFFFFC000  }
0x44: {  	[tilespmem:s20], [sflag:$0x4] =	stream.linear.gather [hbm4b:s30+s3], $0x80, $0x38;
	[tilespmem:$0x1BE00] =	vst v63  }
0x45: {  	s31 =	sadd.s32 $0x100, s14;
	s0 =	sadd.s32 s6, s2;
	s30 =	sadd.s32 $0xFFFFFFFF, s11  }
.LBB2_2:
0x46: {  	[tilespmem:s22], [sflag:$0x4] =	stream.linear.gather [hbm4b:s0+s3], $0x80, $0x38;
	[tilespmem:$0x1BE00] =	vst v63  }
0x47: {  	p0 =	sne.s32 s30, $0x1;
	s30 =	sadd.s32 $0xFFFFFFFF, s30;
	_ =	swait.ge [sflag:s23], $0x80  }
0x48: {  	[sflag:s23] =	ssyncset.done $0x0  }
0x49: {  	[sflag:s23] =	ssyncadd.s32 $0xFFFFFF80  }
0x4a: {  	_ =	swait.ge [sflag:s23], $0x80  }
0x4b: {  	[sflag:s23] =	ssyncset.done $0x0  }
0x4c: {  	[sflag:s23] =	ssyncadd.s32 $0xFFFFFF80  }
0x4d: {  	[tilespmem:s24], [sflag:$0x2] =	stream.indirect.gather [hbm4b:s4+s20], $0x80, s20, s20, $0xb8;
	[tilespmem:$0x1BE00] =	vst v63  }
0x4e: {  	_ =	swait.ge [sflag:s25], $0x4000  }
0x4f: {  	[sflag:s25] =	ssyncset.done $0x0  }
0x50: {  	[sflag:s25] =	ssyncadd.s32 $0xFFFFC000  }
0x51: {  	[spmem:s1] =	stream.indirect.scatter.add.f32 [tilespmem:s21], [sflag:$0x5], $0x80, s19, s20, $0xb8;
	[tilespmem:$0x1BE00] =	vst v63  }
0x52: {  	s0 =	sadd.s32 $0xFFFFFF80, s31;
	_ =	swait.ge [sflag:s18], $0x4000  }
0x53: {  	s0 =	sshrl.u32 s0, $0x3;
	[sflag:s18] =	ssyncset.done $0x0  }
0x54: {  	s2 =	sadd.s32 s5, s0;
	[sflag:s18] =	ssyncadd.s32 $0xFFFFC000  }
0x55: {  	[tilespmem:s3], [sflag:$0x3] =	stream.linear.gather [hbm4b:s2+s3], $0x80, $0x38;
	[tilespmem:$0x1BE00] =	vst v63  }
0x56: {  	s0 =	sadd.s32 s6, s0  }
0x57: {  	[tilespmem:s19], [sflag:$0x3] =	stream.linear.gather [hbm4b:s0+s3], $0x80, $0x38;
	[tilespmem:$0x1BE00] =	vst v63  }
0x58: {  	_ =	swait.ge [sflag:s26], $0x80  }
0x59: {  	[sflag:s26] =	ssyncset.done $0x0  }
0x5a: {  	[sflag:s26] =	ssyncadd.s32 $0xFFFFFF80  }
0x5b: {  	_ =	swait.ge [sflag:s26], $0x80  }
0x5c: {  	[sflag:s26] =	ssyncset.done $0x0  }
0x5d: {  	[sflag:s26] =	ssyncadd.s32 $0xFFFFFF80  }
0x5e: {  	[tilespmem:s21], [sflag:$0x1] =	stream.indirect.gather [hbm4b:s4+s20], $0x80, s3, s20, $0xb8;
	[tilespmem:$0x1BE00] =	vst v63  }
0x5f: {  	_ =	swait.ge [sflag:s28], $0x4000  }
0x60: {  	[sflag:s28] =	ssyncset.done $0x0  }
0x61: {  	[sflag:s28] =	ssyncadd.s32 $0xFFFFC000  }
0x62: {  	[spmem:s1] =	stream.indirect.scatter.add.f32 [tilespmem:s24], [sflag:$0x5], $0x80, s22, s20, $0xb8;
	[tilespmem:$0x1BE00] =	vst v63  }
.Ltmp1:
0x63: {  	_ =	swait.ge [sflag:s18], $0x4000;
	(pc) =	sbr.rel @p0 .LBB2_2-.Ltmp1, $4  }
0x64: {  	s0 =	sshrl.u32 s31, $0x3;
	[sflag:s18] =	ssyncset.done $0x0  }
0x65: {  	s2 =	sadd.s32 s5, s0;
	[sflag:s18] =	ssyncadd.s32 $0xFFFFC000  }
0x66: {  	[tilespmem:s20], [sflag:$0x4] =	stream.linear.gather [hbm4b:s2+s3], $0x80, $0x38;
	[tilespmem:$0x1BE00] =	vst v63  }
0x67: {  	s31 =	sadd.s32 $0x100, s31;
	s0 =	sadd.s32 s6, s0  }
.LBB2_3:
0x68: {  	[tilespmem:s22], [sflag:$0x4] =	stream.linear.gather [hbm4b:s0+s3], $0x80, $0x38;
	[tilespmem:$0x1BE00] =	vst v63  }
0x69: {  	_ =	swait.ge [sflag:s25], $0x4000  }
0x6a: {  	[sflag:s25] =	ssyncset.done $0x0  }
0x6b: {  	[sflag:s25] =	ssyncadd.s32 $0xFFFFC000  }
0x6c: {  	_ =	swait.ge [sflag:s23], $0x80  }
0x6d: {  	[sflag:s23] =	ssyncset.done $0x0  }
0x6e: {  	[sflag:s23] =	ssyncadd.s32 $0xFFFFFF80  }
0x6f: {  	_ =	swait.ge [sflag:s23], $0x80  }
0x70: {  	s29 =	sadd.s32 $0x1, s29;
	[sflag:s23] =	ssyncset.done $0x0  }
0x71: {  	p0 =	sne.s32 s29, s16;
	[sflag:s23] =	ssyncadd.s32 $0xFFFFFF80  }
.Ltmp2:
0x72: {  	[bflag:$0x0] =	sbarrier.arrive $0xFFFF;
	(pc) =	sbr.rel @p0 .LBB2_1-.Ltmp2, $4  }
0x73: {  	[hbm:s15], [sflag:s8] =	dma.local [spmem:s17], $0x2780  }
0x74: {  	_ =	swait.ge [sflag:s18], $0x2780  }
0x75: {  	[sflag:s18] =	ssyncset.done $0x0  }
0x76: {  	[sflag:s18] =	ssyncadd.s32 $0xFFFFD880  }
0x77: {  	_ =	sfence.sel $0x180000  }
0x78: {  	[bflag:$0x0] =	sbarrier.arrive $0xFFFF  }
0x79: {  	_ =	strace $0x9000004D  }
0x7a: {  	s0 =	stileid.u32;
	[bflag:$0x2] =	sbarrier.arrive $0xFFFF  }
0x7b: {  	p0 =	sne.s32 s0, $0x0;
	s0 =	rddreg [dreg:$0x2]  }
0x7c: {  	s0 =	sadd.s32 @!p0 $0x100000, s0  }
0x7d: {  	[sflag:s0] =	ssyncadd.tile.s32 @!p0 $0x1;
	_ =	shalt  }
.Lfunc_end2:
_tile_overlayer_lowered:
.L_overlay_start_2:
0x7e: {  	(tag) =	ssettag $0x2  }
0x7f: {  	s0 =	rddreg [dreg:$0x0];
	s2 =	stileid.u32  }
0x80: {  	s1 =	rddreg [dreg:$0x1];
	p0 =	sne.s32 s2, $0x0  }
0x81: {  	s3 =	rddreg [dreg:$0x2];
	[bflag:$0x3] =	sbarrier.arrive $0xFFFF;
	s2 =	simm.s32 @!p0 $0x1C05  }
0x82: {  	[timem:s3], [sflag:s2] =	dma.local @!p0 [hbm:s0], s1  }
0x83: {  	s0 =	simm.s32 @!p0 $0x5  }
0x84: {  	_ =	swait.ge @!p0 [sflag:s0], s1  }
0x85: {  	s1 =	ssub.s32 @!p0 $0x0, s1;
	[sflag:s0] =	ssyncset.done @!p0 $0x0  }
0x86: {  	[sflag:s0] =	ssyncadd.s32 @!p0 s1  }
0x87: {  	[bflag:$0x3] =	sbarrier.arrive $0xFFFF  }
0x88: {  	_ =	shalt  }

// kernel: kernel.8.cloned.1.call-start
scs
__scs_entry_jumppad:
0x0: {  	(pc) =	sbr.rel $0x88, $3  }
0x1: {  	(tag) =	ssettag $0x0;
	lr =	simm.s32 $0x1  }
0x2: {  	[smem:$0x3F8D] =	sst lr;
	_ =	strace $0xD0000000  }
0x3: {  	_ = 	snop  }
0x4: {  	_ = 	snop  }
0x5: {  	_ = 	snop  }
0x6: {  	_ = 	snop  }
0x7: {  	_ = 	snop  }
__scs_overlays_trampoline_lowered:
0x8: {  	[smem:$0x3F9C] =	sst s0  }
0x9: {  	[smem:$0x3F9D] =	sst s1  }
0xa: {  	[smem:$0x3F9E] =	sst s2  }
0xb: {  	[smem:$0x3F9F] =	sst s3  }
0xc: {  	[smem:$0x3FA0] =	sst s4  }
0xd: {  	[smem:$0x3FA1] =	sst s5  }
0xe: {  	[smem:$0x3FA2] =	sst s6  }
0xf: {  	[smem:$0x3FA3] =	sst s7  }
0x10: {  	[smem:$0x3FA4] =	sst s8  }
0x11: {  	[smem:$0x3FA5] =	sst s9;
	s0 =	simm.s32 @!p0 $0x0  }
0x12: {  	s1 =	sld [smem:$0x3F8B];
	s0 =	simm.s32 @p0 $0x1  }
0x13: {  	[smem:$0x3FA6] =	sst s0;
	s0 =	simm.s32 @!p1 $0x0  }
0x14: {  	s2 =	sld [smem:$0x3F8A];
	s0 =	simm.s32 @p1 $0x1  }
0x15: {  	[smem:$0x3FA7] =	sst s0;
	s0 =	simm.s32 @!p2 $0x0  }
0x16: {  	s3 =	sld [smem:$0x3FDB];
	s0 =	simm.s32 @p2 $0x1  }
0x17: {  	s4 =	simm.s32 $0x1BF5;
	[smem:$0x3FA9] =	sst s0  }
0x18: {  	s0 =	sld [smem:$0x3F8C];
	_ =	swait.ge [sflag:s4], $0x0  }
0x19: {  	s7 =	sld [smem:$0x3F8D]  }
0x1a: {  	s8 =	sadd.s32 $0xFFFFE003, lr  }
0x1b: {  	s9 =	sadd.s32 $0xFFFFFEF7, lr;
	s5 =	simm.s32 $0xFFFFFFFF;
	p2 =	slt.u32 s8, $0xFFFFF086  }
0x1c: {  	p1 =	slt.u32 s9, $0xF7A;
	s5 =	simm.s32 @!p2 $0x0  }
0x1d: {  	s5 =	simm.s32 @p1 $0x1;
	p0 =	seq.s32 s7, s2  }
0x1e: {  	s7 =	smul.u32 @!p0 $0xF7A, s2;
	p2 =	seq.s32 @!p0 s5, $0x0  }
0x1f: {  	s9 =	smul.u32 $0xF7A, s1;
	s8 =	simm.s32 @!p0 $0x1BF5;
	p2 =	por !p2, p0  }
0x20: {  	[sflag:s8] =	ssyncset.s32 @!p0 $0xFFFFF086;
	s6 =	sadd.s32 @!p0 s3, s7;
	s7 =	simm.s32 @!p0 $0x108  }
0x21: {  	s3 =	sadd.s32 s3, s9;
	s6 =	sadd.s32 @!p0 $0x88, s6;
	s7 =	simm.s32 @p2 $0x1082  }
0x22: {  	[simem:s7], [sflag:s8] =	dma.local @!p0 [hbm:s6], $0xF7A  }
0x23: {  	s9 =	sor.u32 $0xD0000000, s2;
	s6 =	simm.s32 $0x108;
	_ =	swait.ge @!p0 [sflag:s8], $0x0  }
0x24: {  	s3 =	sadd.s32 $0x88, s3;
	s6 =	simm.s32 @!p1 $0x1082;
	[sflag:s4] =	ssyncset.s32 $0xFFFFF086  }
0x25: {  	[simem:s6], [sflag:s4] =	dma.local [hbm:s3], $0xF7A  }
0x26: {  	[smem:$0x3F8D] =	sst s1;
	(tag) =	ssettag s2;
	_ =	strace s9  }
0x27: {  	s1 =	sld [smem:$0x3F9D]  }
0x28: {  	s2 =	sld [smem:$0x3F9E]  }
0x29: {  	s4 =	sld [smem:$0x3FA0]  }
0x2a: {  	p0 =	seq.s32 s5, $0x0;
	s5 =	sld [smem:$0x3FA1]  }
0x2b: {  	s6 =	sld [smem:$0x3FA2]  }
0x2c: {  	s7 =	sld [smem:$0x3FA3]  }
0x2d: {  	s3 =	simm.s32 $0x108;
	s8 =	sld [smem:$0x3FA4]  }
0x2e: {  	s3 =	simm.s32 @!p0 $0x1082;
	s9 =	sld [smem:$0x3FA5]  }
0x2f: {  	lr =	sadd.s32 s0, s3;
	s0 =	sld [smem:$0x3F9C]  }
0x30: {  	s3 =	sld [smem:$0x3F9F]  }
0x31: {  	[smem:$0x3FA8] =	sst s10  }
0x32: {  	s10 =	sld [smem:$0x3FA6];
	_ =	sdelay $0x3  }
0x33: {  	p0 =	seq.s32 s10, $0x1;
	s10 =	sld [smem:$0x3FA8];
	_ =	sdelay $0x3  }
0x34: {  	[smem:$0x3FA8] =	sst s10  }
0x35: {  	s10 =	sld [smem:$0x3FA7];
	_ =	sdelay $0x3  }
0x36: {  	p1 =	seq.s32 s10, $0x1;
	s10 =	sld [smem:$0x3FA8];
	_ =	sdelay $0x3  }
0x37: {  	[smem:$0x3FA8] =	sst s10  }
0x38: {  	s10 =	sld [smem:$0x3FA9]  }
0x39: {  	_ = 	snop;
	(pc) =	sbr.ind lr, $3  }
0x3a: {  	_ = 	snop  }
0x3b: {  	_ = 	snop  }
0x3c: {  	p2 =	seq.s32 s10, $0x1;
	s10 =	sld [smem:$0x3FA8]  }
0x3d: {  	_ =	shalt  }
0x3e: {  	_ =	shalt  }
0x3f: {  	_ =	shalt  }
0x40: {  	_ =	shalt  }
0x41: {  	_ =	shalt  }
0x42: {  	_ =	shalt  }
0x43: {  	_ =	shalt  }
0x44: {  	_ =	shalt  }
0x45: {  	_ =	shalt  }
0x46: {  	_ =	shalt  }
0x47: {  	_ =	shalt  }
0x48: {  	_ =	shalt  }
0x49: {  	_ =	shalt  }
0x4a: {  	_ =	shalt  }
0x4b: {  	_ =	shalt  }
0x4c: {  	_ =	shalt  }
0x4d: {  	_ =	shalt  }
0x4e: {  	_ =	shalt  }
0x4f: {  	_ =	shalt  }
0x50: {  	_ =	shalt  }
0x51: {  	_ =	shalt  }
0x52: {  	_ =	shalt  }
0x53: {  	_ =	shalt  }
0x54: {  	_ =	shalt  }
0x55: {  	_ =	shalt  }
0x56: {  	_ =	shalt  }
0x57: {  	_ =	shalt  }
0x58: {  	_ =	shalt  }
0x59: {  	_ =	shalt  }
0x5a: {  	_ =	shalt  }
0x5b: {  	_ =	shalt  }
0x5c: {  	_ =	shalt  }
0x5d: {  	_ =	shalt  }
0x5e: {  	_ =	shalt  }
0x5f: {  	_ =	shalt  }
0x60: {  	_ =	shalt  }
0x61: {  	_ =	shalt  }
0x62: {  	_ =	shalt  }
0x63: {  	_ =	shalt  }
0x64: {  	_ =	shalt  }
0x65: {  	_ =	shalt  }
0x66: {  	_ =	shalt  }
0x67: {  	_ =	shalt  }
0x68: {  	_ =	shalt  }
0x69: {  	_ =	shalt  }
0x6a: {  	_ =	shalt  }
0x6b: {  	_ =	shalt  }
0x6c: {  	_ =	shalt  }
0x6d: {  	_ =	shalt  }
0x6e: {  	_ =	shalt  }
0x6f: {  	_ =	shalt  }
0x70: {  	_ =	shalt  }
0x71: {  	_ =	shalt  }
0x72: {  	_ =	shalt  }
0x73: {  	_ =	shalt  }
0x74: {  	_ =	shalt  }
0x75: {  	_ =	shalt  }
0x76: {  	_ =	shalt  }
0x77: {  	_ =	shalt  }
0x78: {  	_ =	shalt  }
0x79: {  	_ =	shalt  }
0x7a: {  	_ =	shalt  }
0x7b: {  	_ =	shalt  }
0x7c: {  	_ =	shalt  }
0x7d: {  	_ =	shalt  }
0x7e: {  	_ =	shalt  }
0x7f: {  	_ =	shalt  }
0x80: {  	_ =	shalt  }
0x81: {  	_ =	shalt  }
0x82: {  	_ =	shalt  }
0x83: {  	_ =	shalt  }
0x84: {  	_ =	shalt  }
0x85: {  	_ =	shalt  }
0x86: {  	_ =	shalt  }
0x87: {  	_ =	shalt  }
.Lfunc_end0:
.L_simem_size_0:
called_computation_lowered:
.L_overlay_start_0:
0x88: {  	s2 =	sld [smem:$0x3FD9]  }
0x89: {  	s3 =	sld [smem:$0x3FFE];
	_ =	sdelay $0x1  }
0x8a: {  	s1 =	srdreg.scid  }
0x8b: {  	s0 =	sand.u32 $0x1, s1  }
0x8c: {  	s17 =	sshll.u32 s0, $0xA;
	s2 =	sadd.s32 s3, s2  }
0x8d: {  	s2 =	sadd.s32 s2, s17  }
0x8e: {  	[smem:$0x3FB4] =	sst s2  }
0x8f: {  	_ = 	snop  }
0x90: {  	s2 =	sld [smem:$0x3FC9];
	(tm) =	ssettm $0x1  }
0x91: {  	s18 =	sld [smem:$0x3FFB];
	_ =	sdelay $0x3  }
0x92: {  	_ =	strace s18  }
0x93: {  	s3 =	sld [smem:$0x3FFC];
	_ =	sdelay $0x3  }
0x94: {  	_ =	strace s3  }
0x95: {  	s3 =	sld [smem:$0x3FFD];
	_ =	sdelay $0x3  }
0x96: {  	_ =	strace s3  }
0x97: {  	_ =	strace $0x8FFFFFFF  }
0x98: {  	s19 =	sld [smem:$0x3FDB];
	_ =	sdelay $0x1  }
0x99: {  	s4 =	simm.s32 $_scs_section_size  }
0x9a: {  	s5 =	simm.s32 $_size__tile_overlayer_lowered;
	s6 =	simm.s32 $_tile_overlayer_lowered  }
0x9b: {  	s22 =	simm.s32 $0x1BFF;
	s21 =	sshll.u32 s6, $0x1;
	s3 =	sadd.s32 s4, s19  }
0x9c: {  	s7 =	simm.s32 $0x0;
	s20 =	sshll.u32 s5, $0x1;
	s5 =	sadd.s32 s21, s3  }
0x9d: {  	[timem:s7], [sflag:s22] =	dma.local [hbm:s5], s20  }
0x9e: {  	_ =	swait.ge [sflag:s22], s20  }
0x9f: {  	s4 =	ssub.s32 $0x0, s20;
	[sflag:s22] =	ssyncset.done $0x0  }
0xa0: {  	[sflag:s22] =	ssyncadd.s32 s4;
	_ =	sdelay $0x1  }
0xa1: {  	s23 =	simm.s32 $0x1B8B  }
0xa2: {  	_ =	swait.ge [sflag:s23], $0x1  }
0xa3: {  	[sflag:s23] =	ssyncset.done $0x0  }
0xa4: {  	s25 =	simm.s32 $0x1B8E;
	s24 =	sld [smem:$0x3FFE];
	[sflag:s23] =	ssyncadd.s32 $0xFFFFFFFF  }
0xa5: {  	s26 =	simm.s32 $execute0_lowered;
	[smem:$0x3FD2] =	sst s25  }
0xa6: {  	s5 =	sshll.u32 s26, $0x1;
	_ =	strace $0x80000046;
	[dreg:$0x1] =	wrdreg $0xFFFFFFFF  }
0xa7: {  	s28 =	simm.s32 $_size_execute0_lowered;
	s3 =	sadd.s32 s3, s5;
	[dreg:$0x0] =	wrdreg $0x0  }
0xa8: {  	s5 =	sshll.u32 s28, $0x1;
	[dreg:$0x2] =	wrdreg s3  }
0xa9: {  	[dreg:$0x3] =	wrdreg s5  }
0xaa: {  	[dreg:$0x4] =	wrdreg $0xC0  }
0xab: {  	_ =	task [dreg:s7], $0x5FFFF  }
0xac: {  	[dreg:$0x1] =	wrdreg $0xFFFFFFFF  }
0xad: {  	[dreg:$0x0] =	wrdreg $0x60  }
0xae: {  	[dreg:$0x2] =	wrdreg s2  }
0xaf: {  	[dreg:$0x3] =	wrdreg s24  }
0xb0: {  	[dreg:$0x4] =	wrdreg $0x82000  }
0xb1: {  	[dreg:$0x5] =	wrdreg $0x9  }
0xb2: {  	_ =	task.clear_ibuf [dreg:s7], $0x6FFFF;
	_ =	strace $0x90000046  }
0xb3: {  	s29 =	simm.s32 $0x9;
	_ =	strace $0x80000048  }
0xb4: {  	_ =	swait.ge [sflag:s29], $0x1  }
0xb5: {  	[sflag:s29] =	ssyncadd.s32 $0xFFFFFFFF  }
0xb6: {  	_ =	strace $0x90000048  }
0xb7: {  	_ =	sfence  }
0xb8: {  	s30 =	sld [smem:$0x0];
	_ =	sdelay $0x2  }
0xb9: {  	s31 =	sshll.u32 s1, $0xD;
	s1 =	sshrl.u32 s1, $0x2  }
0xba: {  	s3 =	sand.u32 $0x4000, s31;
	s1 =	sadd.s32 s1, s30  }
0xbb: {  	s0 =	sor.u32 s3, s0;
	s1 =	sshll.u32 s1, $0x11  }
0xbc: {  	s0 =	sor.u32 s1, s0  }
0xbd: {  	s0 =	sadd.s32 $0x8F2B, s0  }
0xbe: {  	[sflag:s0] =	ssyncadd.remote.s32 $0x1  }
0xbf: {  	_ =	sfence.sel $0xFFFF  }
0xc0: {  	[dreg:$0x0] =	wrdreg $0xFFFFFFFF;
	(pc) =	sbr.abs _section_cstart, $3  }
0xc1: {  	[dreg:$0x1] =	wrdreg $0xFFFFFFFF  }
0xc2: {  	_ =	task.clear_ibuf [dreg:s7], $0x2FFFF;
	_ =	strace $0x9FFFFFFF  }
0xc3: {  	(tm) =	ssettm $0x7FFFFFFF  }
tec
execute0_lowered:
.L_overlay_start_1:
0x0: {  	(tag) =	ssettag $0x1  }
0x1: {  	s1 =	rddreg [dreg:$0x0]  }
0x2: {  	s0 =	rddreg [dreg:$0x1]  }
0x3: {  	s2 =	rddreg [dreg:$0x2];
	s4 =	simm.s32 $0x0  }
0x4: {  	s5 =	srdreg.scid;
	s3 =	stileid.u32;
	s18 =	simm.s32 $0x5  }
0x5: {  	s19 =	simm.s32 $0x100;
	s20 =	simm.s32 $0x80;
	s21 =	simm.s32 $0x200  }
0x6: {  	s22 =	simm.s32 $0x180;
	s23 =	simm.s32 $0x4;
	s28 =	simm.s32 $0x2  }
0x7: {  	s29 =	simm.s32 $0x0;
	[smem:$0x7FF] =	sst s4;
	s9 =	smul.u32 $0x2780, s3  }
0x8: {  	s8 =	sand.u32 $0x1, s5;
	s5 =	sadd.s32 $0x3C00, s0;
	s12 =	smul.u32 $0xF00, s3  }
0x9: {  	s6 =	sadd.s32 $0xDC00, s0;
	s7 =	sadd.s32 $0x17C00, s0;
	s25 =	smul.u32 $0x4F000, s3  }
0xa: {  	s30 =	sshll.u32 s3, $0x6;
	_ =	strace $0x80000047;
	s10 =	smul.u32 $0x27800, s8  }
0xb: {  	s11 =	ssub.s32 $0x2, s8;
	p0 =	seq.s32 s8, $0x0;
	s8 =	sshll.u32 s3, $0xE  }
0xc: {  	s24 =	sshrl.u32 s11, $0x1;
	s14 =	sor.u32 $0x40000, s12;
	s26 =	sshrl.u32 s25, $0x2  }
0xd: {  	s25 =	simm.s32 $0x1;
	s9 =	sadd.s32 s9, s10;
	s16 =	ssub.s32 s11, s24  }
0xe: {  	s14 =	smov.u32 @p0 s8;
	s17 =	sadd.s32 s26, s2;
	s8 =	sor.u32 $0x1C05, s30  }
0xf: {  	s11 =	simm.s32 $0x40;
	s24 =	simm.s32 $0x4200;
	s26 =	simm.s32 $0x3  }
0x10: {  	s0 =	sadd.s32 s9, s0;
	s31 =	sshrl.u32 s14, $0x3;
	s11 =	simm.s32 @!p0 $0xF  }
0x11: {  	s14 =	sadd.s32 $0x180, s14;
	s16 =	smax.u32 s16, $0x1;
	s17 =	sshrl.u32 s17, $0x3  }
0x12: {  	s9 =	sadd.s32 s5, s31;
	s10 =	sadd.s32 s6, s31;
	s13 =	sor.u32 $0x10, s31  }
0x13: {  	s15 =	sadd.s32 $0x1A400, s0;
	s12 =	sadd.s32 s5, s13;
	s13 =	sadd.s32 s6, s13  }
.LBB2_1:
0x14: {  	[spmem:s17], [sflag:s8] =	dma.local [hbm:s7], $0x2780  }
0x15: {  	_ =	swait.ge [sflag:s18], $0x2780  }
0x16: {  	[sflag:s18] =	ssyncset.done $0x0  }
0x17: {  	[sflag:s18] =	ssyncadd.s32 $0xFFFFD880  }
0x18: {  	[bflag:$0x0] =	sbarrier.arrive $0xFFFF  }
0x19: {  	[tilespmem:s4], [sflag:$0x5] =	stream.linear.gather [hbm4b:s9+s4], $0x80, $0x38;
	[tilespmem:$0x1BE00] =	vst v63  }
0x1a: {  	_ =	swait.ge [sflag:s18], $0x80  }
0x1b: {  	[sflag:s18] =	ssyncset.done $0x0  }
0x1c: {  	[sflag:s18] =	ssyncadd.s32 $0xFFFFFF80  }
0x1d: {  	[tilespmem:s19], [sflag:$0x5] =	stream.linear.gather [hbm4b:s10+s4], $0x80, $0x38;
	[tilespmem:$0x1BE00] =	vst v63  }
0x1e: {  	_ =	swait.ge [sflag:s18], $0x80  }
0x1f: {  	[sflag:s18] =	ssyncset.done $0x0  }
0x20: {  	[sflag:s18] =	ssyncadd.s32 $0xFFFFFF80  }
0x21: {  	[tilespmem:s21], [sflag:$0x1] =	stream.indirect.gather [hbm4b:s1+s20], $0x80, s4, s20, $0xb8;
	[tilespmem:$0x1BE00] =	vst v63  }
0x22: {  	_ = 	snop  }
0x23: {  	[tilespmem:s20], [sflag:$0x4] =	stream.linear.gather [hbm4b:s12+s4], $0x80, $0x38;
	[tilespmem:$0x1BE00] =	vst v63  }
0x24: {  	_ = 	snop  }
0x25: {  	[tilespmem:s22], [sflag:$0x4] =	stream.linear.gather [hbm4b:s13+s4], $0x80, $0x38;
	[tilespmem:$0x1BE00] =	vst v63  }
0x26: {  	_ =	swait.ge [sflag:s23], $0x80  }
0x27: {  	[sflag:s23] =	ssyncset.done $0x0  }
0x28: {  	[sflag:s23] =	ssyncadd.s32 $0xFFFFFF80  }
0x29: {  	_ =	swait.ge [sflag:s23], $0x80  }
0x2a: {  	[sflag:s23] =	ssyncset.done $0x0  }
0x2b: {  	[sflag:s23] =	ssyncadd.s32 $0xFFFFFF80  }
0x2c: {  	[tilespmem:s24], [sflag:$0x2] =	stream.indirect.gather [hbm4b:s1+s20], $0x80, s20, s20, $0xb8;
	[tilespmem:$0x1BE00] =	vst v63  }
0x2d: {  	_ =	swait.ge [sflag:s25], $0x4000  }
0x2e: {  	[sflag:s25] =	ssyncset.done $0x0  }
0x2f: {  	[sflag:s25] =	ssyncadd.s32 $0xFFFFC000  }
0x30: {  	[spmem:s2] =	stream.indirect.scatter.add.f32 [tilespmem:s21], [sflag:$0x5], $0x80, s19, s20, $0xb8;
	[tilespmem:$0x1BE00] =	vst v63  }
0x31: {  	s0 =	sadd.s32 $0xFFFFFF80, s14;
	_ =	swait.ge [sflag:s18], $0x4000  }
0x32: {  	s0 =	sshrl.u32 s0, $0x3;
	[sflag:s18] =	ssyncset.done $0x0  }
0x33: {  	s30 =	sadd.s32 s5, s0;
	[sflag:s18] =	ssyncadd.s32 $0xFFFFC000  }
0x34: {  	[tilespmem:s4], [sflag:$0x3] =	stream.linear.gather [hbm4b:s30+s4], $0x80, $0x38;
	[tilespmem:$0x1BE00] =	vst v63  }
0x35: {  	s0 =	sadd.s32 s6, s0  }
0x36: {  	[tilespmem:s19], [sflag:$0x3] =	stream.linear.gather [hbm4b:s0+s4], $0x80, $0x38;
	[tilespmem:$0x1BE00] =	vst v63  }
0x37: {  	_ =	swait.ge [sflag:s26], $0x80  }
0x38: {  	[sflag:s26] =	ssyncset.done $0x0  }
0x39: {  	[sflag:s26] =	ssyncadd.s32 $0xFFFFFF80  }
0x3a: {  	_ =	swait.ge [sflag:s26], $0x80  }
0x3b: {  	[sflag:s26] =	ssyncset.done $0x0  }
0x3c: {  	[sflag:s26] =	ssyncadd.s32 $0xFFFFFF80  }
0x3d: {  	[tilespmem:s21], [sflag:$0x1] =	stream.indirect.gather [hbm4b:s1+s20], $0x80, s4, s20, $0xb8;
	[tilespmem:$0x1BE00] =	vst v63  }
0x3e: {  	_ =	swait.ge [sflag:s28], $0x4000  }
0x3f: {  	[sflag:s28] =	ssyncset.done $0x0  }
0x40: {  	p0 =	sne.s32 s11, $0x1;
	[sflag:s28] =	ssyncadd.s32 $0xFFFFC000  }
0x41: {  	[spmem:s2] =	stream.indirect.scatter.add.f32 [tilespmem:s24], [sflag:$0x5], $0x80, s22, s20, $0xb8;
	[tilespmem:$0x1BE00] =	vst v63  }
.Ltmp0:
0x42: {  	_ =	swait.ge [sflag:s18], $0x4000;
	(pc) =	sbr.rel @!p0 .LBB2_3-.Ltmp0, $4  }
0x43: {  	s3 =	sshrl.u32 s14, $0x3;
	[sflag:s18] =	ssyncset.done $0x0  }
0x44: {  	s30 =	sadd.s32 s5, s3;
	[sflag:s18] =	ssyncadd.s32 $0xFFFFC000  }
0x45: {  	[tilespmem:s20], [sflag:$0x4] =	stream.linear.gather [hbm4b:s30+s4], $0x80, $0x38;
	[tilespmem:$0x1BE00] =	vst v63  }
0x46: {  	s31 =	sadd.s32 $0x100, s14;
	s0 =	sadd.s32 s6, s3;
	s30 =	sadd.s32 $0xFFFFFFFF, s11  }
.LBB2_2:
0x47: {  	[tilespmem:s22], [sflag:$0x4] =	stream.linear.gather [hbm4b:s0+s4], $0x80, $0x38;
	[tilespmem:$0x1BE00] =	vst v63  }
0x48: {  	p0 =	sne.s32 s30, $0x1;
	s30 =	sadd.s32 $0xFFFFFFFF, s30;
	_ =	swait.ge [sflag:s23], $0x80  }
0x49: {  	[sflag:s23] =	ssyncset.done $0x0  }
0x4a: {  	[sflag:s23] =	ssyncadd.s32 $0xFFFFFF80  }
0x4b: {  	_ =	swait.ge [sflag:s23], $0x80  }
0x4c: {  	[sflag:s23] =	ssyncset.done $0x0  }
0x4d: {  	[sflag:s23] =	ssyncadd.s32 $0xFFFFFF80  }
0x4e: {  	[tilespmem:s24], [sflag:$0x2] =	stream.indirect.gather [hbm4b:s1+s20], $0x80, s20, s20, $0xb8;
	[tilespmem:$0x1BE00] =	vst v63  }
0x4f: {  	_ =	swait.ge [sflag:s25], $0x4000  }
0x50: {  	[sflag:s25] =	ssyncset.done $0x0  }
0x51: {  	[sflag:s25] =	ssyncadd.s32 $0xFFFFC000  }
0x52: {  	[spmem:s2] =	stream.indirect.scatter.add.f32 [tilespmem:s21], [sflag:$0x5], $0x80, s19, s20, $0xb8;
	[tilespmem:$0x1BE00] =	vst v63  }
0x53: {  	s0 =	sadd.s32 $0xFFFFFF80, s31;
	_ =	swait.ge [sflag:s18], $0x4000  }
0x54: {  	s0 =	sshrl.u32 s0, $0x3;
	[sflag:s18] =	ssyncset.done $0x0  }
0x55: {  	s3 =	sadd.s32 s5, s0;
	[sflag:s18] =	ssyncadd.s32 $0xFFFFC000  }
0x56: {  	[tilespmem:s4], [sflag:$0x3] =	stream.linear.gather [hbm4b:s3+s4], $0x80, $0x38;
	[tilespmem:$0x1BE00] =	vst v63  }
0x57: {  	s0 =	sadd.s32 s6, s0  }
0x58: {  	[tilespmem:s19], [sflag:$0x3] =	stream.linear.gather [hbm4b:s0+s4], $0x80, $0x38;
	[tilespmem:$0x1BE00] =	vst v63  }
0x59: {  	_ =	swait.ge [sflag:s26], $0x80  }
0x5a: {  	[sflag:s26] =	ssyncset.done $0x0  }
0x5b: {  	[sflag:s26] =	ssyncadd.s32 $0xFFFFFF80  }
0x5c: {  	_ =	swait.ge [sflag:s26], $0x80  }
0x5d: {  	[sflag:s26] =	ssyncset.done $0x0  }
0x5e: {  	[sflag:s26] =	ssyncadd.s32 $0xFFFFFF80  }
0x5f: {  	[tilespmem:s21], [sflag:$0x1] =	stream.indirect.gather [hbm4b:s1+s20], $0x80, s4, s20, $0xb8;
	[tilespmem:$0x1BE00] =	vst v63  }
0x60: {  	_ =	swait.ge [sflag:s28], $0x4000  }
0x61: {  	[sflag:s28] =	ssyncset.done $0x0  }
0x62: {  	[sflag:s28] =	ssyncadd.s32 $0xFFFFC000  }
0x63: {  	[spmem:s2] =	stream.indirect.scatter.add.f32 [tilespmem:s24], [sflag:$0x5], $0x80, s22, s20, $0xb8;
	[tilespmem:$0x1BE00] =	vst v63  }
.Ltmp1:
0x64: {  	_ =	swait.ge [sflag:s18], $0x4000;
	(pc) =	sbr.rel @p0 .LBB2_2-.Ltmp1, $4  }
0x65: {  	s0 =	sshrl.u32 s31, $0x3;
	[sflag:s18] =	ssyncset.done $0x0  }
0x66: {  	s3 =	sadd.s32 s5, s0;
	[sflag:s18] =	ssyncadd.s32 $0xFFFFC000  }
0x67: {  	[tilespmem:s20], [sflag:$0x4] =	stream.linear.gather [hbm4b:s3+s4], $0x80, $0x38;
	[tilespmem:$0x1BE00] =	vst v63  }
0x68: {  	s31 =	sadd.s32 $0x100, s31;
	s0 =	sadd.s32 s6, s0  }
.LBB2_3:
0x69: {  	[tilespmem:s22], [sflag:$0x4] =	stream.linear.gather [hbm4b:s0+s4], $0x80, $0x38;
	[tilespmem:$0x1BE00] =	vst v63  }
0x6a: {  	_ =	swait.ge [sflag:s25], $0x4000  }
0x6b: {  	[sflag:s25] =	ssyncset.done $0x0  }
0x6c: {  	[sflag:s25] =	ssyncadd.s32 $0xFFFFC000  }
0x6d: {  	_ =	swait.ge [sflag:s23], $0x80  }
0x6e: {  	[sflag:s23] =	ssyncset.done $0x0  }
0x6f: {  	[sflag:s23] =	ssyncadd.s32 $0xFFFFFF80  }
0x70: {  	_ =	swait.ge [sflag:s23], $0x80  }
0x71: {  	s29 =	sadd.s32 $0x1, s29;
	[sflag:s23] =	ssyncset.done $0x0  }
0x72: {  	p0 =	sne.s32 s29, s16;
	[sflag:s23] =	ssyncadd.s32 $0xFFFFFF80  }
.Ltmp2:
0x73: {  	[bflag:$0x0] =	sbarrier.arrive $0xFFFF;
	(pc) =	sbr.rel @p0 .LBB2_1-.Ltmp2, $4  }
0x74: {  	[hbm:s15], [sflag:s8] =	dma.local [spmem:s17], $0x2780  }
0x75: {  	_ =	swait.ge [sflag:s18], $0x2780  }
0x76: {  	[sflag:s18] =	ssyncset.done $0x0  }
0x77: {  	[sflag:s18] =	ssyncadd.s32 $0xFFFFD880  }
0x78: {  	_ =	sfence.sel $0x180000  }
0x79: {  	[bflag:$0x0] =	sbarrier.arrive $0xFFFF  }
0x7a: {  	_ =	strace $0x90000047  }
0x7b: {  	s0 =	stileid.u32;
	[bflag:$0x2] =	sbarrier.arrive $0xFFFF  }
0x7c: {  	p0 =	sne.s32 s0, $0x0;
	s0 =	rddreg [dreg:$0x3]  }
0x7d: {  	s0 =	sadd.s32 @!p0 $0x100000, s0  }
0x7e: {  	[sflag:s0] =	ssyncadd.tile.s32 @!p0 $0x1;
	_ =	shalt  }
.Lfunc_end2:
_tile_overlayer_lowered:
.L_overlay_start_2:
0x7f: {  	(tag) =	ssettag $0x2  }
0x80: {  	s0 =	rddreg [dreg:$0x0];
	s2 =	stileid.u32  }
0x81: {  	s1 =	rddreg [dreg:$0x1];
	p0 =	sne.s32 s2, $0x0  }
0x82: {  	s3 =	rddreg [dreg:$0x2];
	[bflag:$0x3] =	sbarrier.arrive $0xFFFF;
	s2 =	simm.s32 @!p0 $0x1C05  }
0x83: {  	[timem:s3], [sflag:s2] =	dma.local @!p0 [hbm:s0], s1  }
0x84: {  	s0 =	simm.s32 @!p0 $0x5  }
0x85: {  	_ =	swait.ge @!p0 [sflag:s0], s1  }
0x86: {  	s1 =	ssub.s32 @!p0 $0x0, s1;
	[sflag:s0] =	ssyncset.done @!p0 $0x0  }
0x87: {  	[sflag:s0] =	ssyncadd.s32 @!p0 s1  }
0x88: {  	[bflag:$0x3] =	sbarrier.arrive $0xFFFF  }
0x89: {  	_ =	shalt  }

</sc_bundles>
